<compile_context>
chip_gen: v7x
topology: tpu7x:2x2x1
jax: 0.10.2.dev20260603
libtpu: 0.0.44.dev20260713+nightly
codegen_flags: <defaults>
</compile_context>

<pallas_src>
import functools

import jax
import jax.numpy as jnp
from jax import lax
from jax.experimental import pallas as pl
from jax.experimental.pallas import tpu as pltpu
from jax.experimental.pallas import tpu_sc as plsc

_NUM_CODES = 1024
_DIM = 64
_ROWS = 8192
_LEAD = 8
_BLOCK = 1024
_COMMIT = 0.25

_NW = 32
_BPW = _ROWS // _NW
_GRP = _BPW // 16


def _tc_body(x_ref, emb_ref, s2_ref, iota_ref, idx_ref, msum_ref):
    x = x_ref[...].reshape(_BLOCK, _DIM)
    mm2 = jnp.dot(x + x, emb_ref[...], preferred_element_type=jnp.float32)
    s1 = jnp.sum(x * x, axis=1, keepdims=True)
    d = (s1 + s2_ref[...]) - mm2
    m = jnp.min(d, axis=1, keepdims=True)
    idxf = jnp.min(jnp.where(d == m, iota_ref[...], float(_NUM_CODES)), axis=1)
    idx_ref[...] = idxf.astype(jnp.int32)
    part = jnp.sum(m).reshape(1, 1)

    @pl.when(pl.program_id(0) == 0)
    def _():
        msum_ref[...] = part

    @pl.when(pl.program_id(0) > 0)
    def _():
        msum_ref[...] = msum_ref[...] + part


_tc_call = pl.pallas_call(
    _tc_body,
    grid=(_ROWS // _BLOCK,),
    in_specs=[
        pl.BlockSpec((1, _BLOCK, _DIM), lambda i: (i, 0, 0)),
        pl.BlockSpec((_DIM, _NUM_CODES), lambda i: (0, 0)),
        pl.BlockSpec((1, _NUM_CODES), lambda i: (0, 0)),
        pl.BlockSpec((1, _NUM_CODES), lambda i: (0, 0)),
    ],
    out_specs=[
        pl.BlockSpec((_BLOCK,), lambda i: (i,)),
        pl.BlockSpec((1, 1), lambda i: (0, 0)),
    ],
    out_shape=[
        jax.ShapeDtypeStruct((_ROWS,), jnp.int32),
        jax.ShapeDtypeStruct((1, 1), jnp.float32),
    ],
)


@functools.cache
def _sc_gather_call():
    @functools.partial(
        pl.kernel,
        mesh=plsc.VectorSubcoreMesh(core_axis_name="c", subcore_axis_name="s"),
        out_type=jax.ShapeDtypeStruct((_LEAD, _DIM, 1024), jnp.float32),
        scratch_types=[
            pltpu.VMEM_SHARED((_DIM, _NUM_CODES), jnp.float32),
            pltpu.VMEM((_DIM, _NUM_CODES), jnp.float32),
            pltpu.VMEM((_BPW,), jnp.int32),
            pltpu.VMEM((_DIM, _BPW), jnp.float32),
            pltpu.SemaphoreType.DMA,
        ],
        compiler_params=pltpu.CompilerParams(
            needs_layout_passes=False, use_tc_tiling_on_sc=False
        ),
    )
    def _sc_gather(
        table_hbm, idx_hbm, out_hbm, table_s, table_v, idx_v, rows_v, sem
    ):
        sid = lax.axis_index("s")
        wid = sid * 2 + lax.axis_index("c")

        with jax.named_scope("sc_stage"):
            @pl.when(sid == 0)
            def _():
                pltpu.sync_copy(table_hbm, table_s)

            pltpu.sync_copy(idx_hbm.at[pl.ds(wid * _BPW, _BPW)], idx_v)
            plsc.subcore_barrier()
            pltpu.sync_copy(table_s, table_v)
        lanes = lax.iota(jnp.int32, 16)

        with jax.named_scope("sc_gather"):
            @pl.loop(0, _GRP)
            def _(g):
                ridx = idx_v[pl.ds(g * 16, 16)]
                rv = lanes + g * 16
                for k in range(_DIM):
                    kf = jnp.full((16,), k, jnp.int32)
                    vals = plsc.load_gather(table_v, [kf, ridx])
                    plsc.store_scatter(rows_v, [kf, rv], vals)

        with jax.named_scope("sc_writeback"):
            pltpu.sync_copy(
                rows_v,
                out_hbm.at[wid // 4, :, pl.ds((wid % 4) * _BPW, _BPW)],
            )

    return _sc_gather


def kernel(inputs, embeddings):
    s2 = jnp.sum(embeddings ** 2, axis=0)[None, :]
    iota_f = jnp.arange(_NUM_CODES, dtype=jnp.float32)[None, :]
    idx_flat, msum = _tc_call(inputs, embeddings, s2, iota_f)
    quant_t = _sc_gather_call()(embeddings, idx_flat)
    loss = _COMMIT * (msum[0, 0] / (_ROWS * _DIM))
    return (
        loss,
        quant_t.transpose(0, 2, 1),
        idx_flat.reshape(inputs.shape[:-1]),
    )

# --- scband reference (transcript-rebuilt; emitter-appended) ---
"""Pipeline reference for scband-vector-quantizer-ema-20315195310540 (READ-ONLY COPY).

The authoritative reference and input builder live on the scoring server;
editing this copy changes nothing except your own understanding.
"""

import jax, jax.numpy as jnp
import numpy as np

NUM_EMBEDDINGS = 1024
EMBEDDING_DIM = 64
COMMITMENT_COST = 0.25


def setup_inputs(seed: int = 0) -> dict:
    key = jax.random.key(seed)
    k1, k2 = jax.random.split(key)
    inputs = jax.random.normal(k1, (8, 1024, 64), dtype=jnp.float32)
    # matches torch buffer init: torch.randn(embedding_dim, num_embeddings) * 2 - 1
    embeddings = jax.random.normal(k2, (EMBEDDING_DIM, NUM_EMBEDDINGS), dtype=jnp.float32) * 2.0 - 1.0
    return {"inputs": inputs, "embeddings": embeddings}


def reference(inputs, embeddings):
    flat_inputs = inputs.reshape(-1, EMBEDDING_DIM)
    distances = (
        jnp.sum(flat_inputs ** 2, axis=1, keepdims=True)
        + jnp.sum(embeddings ** 2, axis=0)
        - 2.0 * jnp.matmul(flat_inputs, embeddings)
    )
    encoding_indices_flat = jnp.argmin(distances, axis=1)
    # quantized = one_hot(idx) @ embeddings.T  ==  gather of codebook columns
    quantized_flat = jnp.take(embeddings, encoding_indices_flat, axis=1).T
    quantized = quantized_flat.reshape(inputs.shape)
    encoding_indices = encoding_indices_flat.reshape(inputs.shape[:-1])
    # eval-mode forward (EMA buffer updates are training-only side effects)
    e_latent_loss = jnp.mean((jax.lax.stop_gradient(quantized) - inputs) ** 2)
    loss = COMMITMENT_COST * e_latent_loss
    quantized = inputs + jax.lax.stop_gradient(quantized - inputs)
    return loss, quantized, encoding_indices

if __name__ == "__main__":
    import jax
    _d = setup_inputs()
    print(jax.jit(kernel)(*tuple(_d.values())))

</pallas_src>

<mosaic_0001>
#map = affine_map<(d0, d1) -> (0, 0)>
#map1 = affine_map<(d0, d1) -> (0)>
#map2 = affine_map<(d0, d1) -> (0, 0, 0)>
module attributes {stable_mosaic.version = 14 : i64} {
  func.func @_sc_gather(%arg0: i32, %arg1: i32, %arg2: memref<64x1024xf32, #tpu.memory_space<hbm>>, %arg3: memref<8192xi32, #tpu.memory_space<hbm>>, %arg4: memref<8x64x1024xf32, #tpu.memory_space<hbm>>, %arg5: memref<64x1024xf32, #tpu.memory_space<vmem_shared>>, %arg6: memref<64x1024xf32, #tpu.memory_space<vmem>>, %arg7: memref<256xi32, #tpu.memory_space<vmem>>, %arg8: memref<64x256xf32, #tpu.memory_space<vmem>>, %arg9: memref<!tpu.dma_semaphore, #tpu.memory_space<semaphore_mem>>) attributes {dimension_semantics = [#tpu.dimension_semantics<core_parallel>, #tpu.dimension_semantics<subcore_parallel>], iteration_bounds = array<i64: 2, 16>, scalar_prefetch = 0 : i64, scratch_operands = 5 : i64, tpu.core_type = #tpu.core_type<sc_vector_subcore>, window_params = [{transform_indices = #map}, {transform_indices = #map1}, {transform_indices = #map2}]} {
    %mul3A = arith.constant 2 : i32
    %mul3A_0 = arith.muli %arg1, %mul3A : i32
    %add3A = arith.addi %mul3A_0, %arg0 : i32
    %eq3A = arith.constant 0 : i32
    "tpu.trace_start"() <{level = 10 : i32, message = "sc_stage"}> : () -> ()
    %eq3A_1 = arith.cmpi eq, %arg1, %eq3A : i32
    %convert_element_type3A = arith.extui %eq3A_1 : i1 to i32
    %cond3A = arith.constant 0 : i32
    %cond3A_2 = arith.cmpi ne, %convert_element_type3A, %cond3A : i32
    scf.if %cond3A_2 {
      "tpu.region"() ({
        %run_scoped3A = tpu.sem_alloc : memref<!tpu.dma_semaphore, #tpu.memory_space<semaphore_mem>>
        tpu.enqueue_dma source(%arg2 : memref<64x1024xf32, #tpu.memory_space<hbm>>) target(%arg5 : memref<64x1024xf32, #tpu.memory_space<vmem_shared>>) target_semaphore(%run_scoped3A : memref<!tpu.dma_semaphore, #tpu.memory_space<semaphore_mem>>)
        tpu.wait_dma2 semaphore(%run_scoped3A : memref<!tpu.dma_semaphore, #tpu.memory_space<semaphore_mem>>) src(%arg2 : memref<64x1024xf32, #tpu.memory_space<hbm>>) dst(%arg5 : memref<64x1024xf32, #tpu.memory_space<vmem_shared>>)
        tpu.yield
      }) : () -> ()
    } else {
    }
    %mul3A_3 = arith.constant 256 : i32
    %mul3A_4 = arith.muli %add3A, %mul3A_3 : i32
    "tpu.region"() ({
      %run_scoped3A = tpu.sem_alloc : memref<!tpu.dma_semaphore, #tpu.memory_space<semaphore_mem>>
      %dma_start3A = tpu.memref_slice %arg3[%mul3A_4] : memref<8192xi32, #tpu.memory_space<hbm>> -> memref<256xi32, #tpu.memory_space<hbm>>
      %dma_start3A_42 = tpu.memref_slice %arg3[%mul3A_4] : memref<8192xi32, #tpu.memory_space<hbm>> -> memref<256xi32, #tpu.memory_space<hbm>>
      tpu.enqueue_dma source(%dma_start3A_42 : memref<256xi32, #tpu.memory_space<hbm>>) target(%arg7 : memref<256xi32, #tpu.memory_space<vmem>>) target_semaphore(%run_scoped3A : memref<!tpu.dma_semaphore, #tpu.memory_space<semaphore_mem>>)
      %dma_wait3A = tpu.memref_slice %arg3[%mul3A_4] : memref<8192xi32, #tpu.memory_space<hbm>> -> memref<256xi32, #tpu.memory_space<hbm>>
      %dma_wait3A_43 = tpu.memref_slice %arg3[%mul3A_4] : memref<8192xi32, #tpu.memory_space<hbm>> -> memref<256xi32, #tpu.memory_space<hbm>>
      tpu.wait_dma2 semaphore(%run_scoped3A : memref<!tpu.dma_semaphore, #tpu.memory_space<semaphore_mem>>) src(%dma_wait3A_43 : memref<256xi32, #tpu.memory_space<hbm>>) dst(%arg7 : memref<256xi32, #tpu.memory_space<vmem>>)
      tpu.yield
    }) : () -> ()
    %barrier3A = arith.constant 0 : index
    tpu.barrier barrier_id(%barrier3A)
    "tpu.region"() ({
      %run_scoped3A = tpu.sem_alloc : memref<!tpu.dma_semaphore, #tpu.memory_space<semaphore_mem>>
      tpu.enqueue_dma source(%arg5 : memref<64x1024xf32, #tpu.memory_space<vmem_shared>>) target(%arg6 : memref<64x1024xf32, #tpu.memory_space<vmem>>) target_semaphore(%run_scoped3A : memref<!tpu.dma_semaphore, #tpu.memory_space<semaphore_mem>>)
      tpu.wait_dma2 semaphore(%run_scoped3A : memref<!tpu.dma_semaphore, #tpu.memory_space<semaphore_mem>>) src(%arg5 : memref<64x1024xf32, #tpu.memory_space<vmem_shared>>) dst(%arg6 : memref<64x1024xf32, #tpu.memory_space<vmem>>)
      tpu.yield
    }) : () -> ()
    "tpu.trace_stop"() : () -> ()
    %iota3A = tpu.iota {dimensions = array<i32: 0>} : vector<16xi32>
    "tpu.trace_start"() <{level = 10 : i32, message = "sc_gather"}> : () -> ()
    %scan3A = arith.constant 0 : i32
    %scan3A_5 = arith.constant 16 : i32
    %scan3A_6 = arith.addi %scan3A, %scan3A_5 : i32
    %scan3A_7 = arith.constant 1 : i32
    scf.for %scan3A_42 = %scan3A to %scan3A_6 step %scan3A_7  : i32 {
      %mul3A_43 = arith.constant 1 : i32
      %mul3A_44 = arith.muli %scan3A_42, %mul3A_43 : i32
      %add3A_45 = arith.constant 0 : i32
      %add3A_46 = arith.addi %add3A_45, %mul3A_44 : i32
      %mul3A_47 = arith.constant 16 : i32
      %mul3A_48 = arith.muli %add3A_46, %mul3A_47 : i32
      %get3A = arith.index_cast %mul3A_48 : i32 to index
      %get3A_49 = tpu.vector_load %arg7[%get3A] {strides = array<i32>} : memref<256xi32, #tpu.memory_space<vmem>>, vector<16xi32>,
      %mul3A_50 = arith.constant 16 : i32
      %mul3A_51 = arith.muli %add3A_46, %mul3A_50 : i32
      %add3A_52 = vector.broadcast %mul3A_51 : i32 to vector<16xi32>
      %add3A_53 = arith.addi %iota3A, %add3A_52 : vector<16xi32>
      %broadcast_in_dim3A = arith.constant 0 : i32
      %broadcast_in_dim3A_54 = vector.broadcast %broadcast_in_dim3A : i32 to vector<16xi32>
      %gather3A = tpu.vector_load_idx %arg6[%broadcast_in_dim3A_54, %get3A_49] : memref<64x1024xf32, #tpu.memory_space<vmem>>[vector<16xi32>, vector<16xi32>], vector<16xf32>,
      tpu.vector_store_idx %arg8[%broadcast_in_dim3A_54, %add3A_53], %gather3A : memref<64x256xf32, #tpu.memory_space<vmem>>[vector<16xi32>, vector<16xi32>], vector<16xf32>,
      %broadcast_in_dim3A_55 = arith.constant 1 : i32
      %broadcast_in_dim3A_56 = vector.broadcast %broadcast_in_dim3A_55 : i32 to vector<16xi32>
      %gather3A_57 = tpu.vector_load_idx %arg6[%broadcast_in_dim3A_56, %get3A_49] : memref<64x1024xf32, #tpu.memory_space<vmem>>[vector<16xi32>, vector<16xi32>], vector<16xf32>,
      tpu.vector_store_idx %arg8[%broadcast_in_dim3A_56, %add3A_53], %gather3A_57 : memref<64x256xf32, #tpu.memory_space<vmem>>[vector<16xi32>, vector<16xi32>], vector<16xf32>,
      %broadcast_in_dim3A_58 = arith.constant 2 : i32
      %broadcast_in_dim3A_59 = vector.broadcast %broadcast_in_dim3A_58 : i32 to vector<16xi32>
      %gather3A_60 = tpu.vector_load_idx %arg6[%broadcast_in_dim3A_59, %get3A_49] : memref<64x1024xf32, #tpu.memory_space<vmem>>[vector<16xi32>, vector<16xi32>], vector<16xf32>,
      tpu.vector_store_idx %arg8[%broadcast_in_dim3A_59, %add3A_53], %gather3A_60 : memref<64x256xf32, #tpu.memory_space<vmem>>[vector<16xi32>, vector<16xi32>], vector<16xf32>,
      %broadcast_in_dim3A_61 = arith.constant 3 : i32
      %broadcast_in_dim3A_62 = vector.broadcast %broadcast_in_dim3A_61 : i32 to vector<16xi32>
      %gather3A_63 = tpu.vector_load_idx %arg6[%broadcast_in_dim3A_62, %get3A_49] : memref<64x1024xf32, #tpu.memory_space<vmem>>[vector<16xi32>, vector<16xi32>], vector<16xf32>,
      tpu.vector_store_idx %arg8[%broadcast_in_dim3A_62, %add3A_53], %gather3A_63 : memref<64x256xf32, #tpu.memory_space<vmem>>[vector<16xi32>, vector<16xi32>], vector<16xf32>,
      %broadcast_in_dim3A_64 = arith.constant 4 : i32
      %broadcast_in_dim3A_65 = vector.broadcast %broadcast_in_dim3A_64 : i32 to vector<16xi32>
      %gather3A_66 = tpu.vector_load_idx %arg6[%broadcast_in_dim3A_65, %get3A_49] : memref<64x1024xf32, #tpu.memory_space<vmem>>[vector<16xi32>, vector<16xi32>], vector<16xf32>,
      tpu.vector_store_idx %arg8[%broadcast_in_dim3A_65, %add3A_53], %gather3A_66 : memref<64x256xf32, #tpu.memory_space<vmem>>[vector<16xi32>, vector<16xi32>], vector<16xf32>,
      %broadcast_in_dim3A_67 = arith.constant 5 : i32
      %broadcast_in_dim3A_68 = vector.broadcast %broadcast_in_dim3A_67 : i32 to vector<16xi32>
      %gather3A_69 = tpu.vector_load_idx %arg6[%broadcast_in_dim3A_68, %get3A_49] : memref<64x1024xf32, #tpu.memory_space<vmem>>[vector<16xi32>, vector<16xi32>], vector<16xf32>,
      tpu.vector_store_idx %arg8[%broadcast_in_dim3A_68, %add3A_53], %gather3A_69 : memref<64x256xf32, #tpu.memory_space<vmem>>[vector<16xi32>, vector<16xi32>], vector<16xf32>,
      %broadcast_in_dim3A_70 = arith.constant 6 : i32
      %broadcast_in_dim3A_71 = vector.broadcast %broadcast_in_dim3A_70 : i32 to vector<16xi32>
      %gather3A_72 = tpu.vector_load_idx %arg6[%broadcast_in_dim3A_71, %get3A_49] : memref<64x1024xf32, #tpu.memory_space<vmem>>[vector<16xi32>, vector<16xi32>], vector<16xf32>,
      tpu.vector_store_idx %arg8[%broadcast_in_dim3A_71, %add3A_53], %gather3A_72 : memref<64x256xf32, #tpu.memory_space<vmem>>[vector<16xi32>, vector<16xi32>], vector<16xf32>,
      %broadcast_in_dim3A_73 = arith.constant 7 : i32
      %broadcast_in_dim3A_74 = vector.broadcast %broadcast_in_dim3A_73 : i32 to vector<16xi32>
      %gather3A_75 = tpu.vector_load_idx %arg6[%broadcast_in_dim3A_74, %get3A_49] : memref<64x1024xf32, #tpu.memory_space<vmem>>[vector<16xi32>, vector<16xi32>], vector<16xf32>,
      tpu.vector_store_idx %arg8[%broadcast_in_dim3A_74, %add3A_53], %gather3A_75 : memref<64x256xf32, #tpu.memory_space<vmem>>[vector<16xi32>, vector<16xi32>], vector<16xf32>,
      %broadcast_in_dim3A_76 = arith.constant 8 : i32
      %broadcast_in_dim3A_77 = vector.broadcast %broadcast_in_dim3A_76 : i32 to vector<16xi32>
      %gather3A_78 = tpu.vector_load_idx %arg6[%broadcast_in_dim3A_77, %get3A_49] : memref<64x1024xf32, #tpu.memory_space<vmem>>[vector<16xi32>, vector<16xi32>], vector<16xf32>,
      tpu.vector_store_idx %arg8[%broadcast_in_dim3A_77, %add3A_53], %gather3A_78 : memref<64x256xf32, #tpu.memory_space<vmem>>[vector<16xi32>, vector<16xi32>], vector<16xf32>,
      %broadcast_in_dim3A_79 = arith.constant 9 : i32
      %broadcast_in_dim3A_80 = vector.broadcast %broadcast_in_dim3A_79 : i32 to vector<16xi32>
      %gather3A_81 = tpu.vector_load_idx %arg6[%broadcast_in_dim3A_80, %get3A_49] : memref<64x1024xf32, #tpu.memory_space<vmem>>[vector<16xi32>, vector<16xi32>], vector<16xf32>,
      tpu.vector_store_idx %arg8[%broadcast_in_dim3A_80, %add3A_53], %gather3A_81 : memref<64x256xf32, #tpu.memory_space<vmem>>[vector<16xi32>, vector<16xi32>], vector<16xf32>,
      %broadcast_in_dim3A_82 = arith.constant 10 : i32
      %broadcast_in_dim3A_83 = vector.broadcast %broadcast_in_dim3A_82 : i32 to vector<16xi32>
      %gather3A_84 = tpu.vector_load_idx %arg6[%broadcast_in_dim3A_83, %get3A_49] : memref<64x1024xf32, #tpu.memory_space<vmem>>[vector<16xi32>, vector<16xi32>], vector<16xf32>,
      tpu.vector_store_idx %arg8[%broadcast_in_dim3A_83, %add3A_53], %gather3A_84 : memref<64x256xf32, #tpu.memory_space<vmem>>[vector<16xi32>, vector<16xi32>], vector<16xf32>,
      %broadcast_in_dim3A_85 = arith.constant 11 : i32
      %broadcast_in_dim3A_86 = vector.broadcast %broadcast_in_dim3A_85 : i32 to vector<16xi32>
      %gather3A_87 = tpu.vector_load_idx %arg6[%broadcast_in_dim3A_86, %get3A_49] : memref<64x1024xf32, #tpu.memory_space<vmem>>[vector<16xi32>, vector<16xi32>], vector<16xf32>,
      tpu.vector_store_idx %arg8[%broadcast_in_dim3A_86, %add3A_53], %gather3A_87 : memref<64x256xf32, #tpu.memory_space<vmem>>[vector<16xi32>, vector<16xi32>], vector<16xf32>,
      %broadcast_in_dim3A_88 = arith.constant 12 : i32
      %broadcast_in_dim3A_89 = vector.broadcast %broadcast_in_dim3A_88 : i32 to vector<16xi32>
      %gather3A_90 = tpu.vector_load_idx %arg6[%broadcast_in_dim3A_89, %get3A_49] : memref<64x1024xf32, #tpu.memory_space<vmem>>[vector<16xi32>, vector<16xi32>], vector<16xf32>,
      tpu.vector_store_idx %arg8[%broadcast_in_dim3A_89, %add3A_53], %gather3A_90 : memref<64x256xf32, #tpu.memory_space<vmem>>[vector<16xi32>, vector<16xi32>], vector<16xf32>,
      %broadcast_in_dim3A_91 = arith.constant 13 : i32
      %broadcast_in_dim3A_92 = vector.broadcast %broadcast_in_dim3A_91 : i32 to vector<16xi32>
      %gather3A_93 = tpu.vector_load_idx %arg6[%broadcast_in_dim3A_92, %get3A_49] : memref<64x1024xf32, #tpu.memory_space<vmem>>[vector<16xi32>, vector<16xi32>], vector<16xf32>,
      tpu.vector_store_idx %arg8[%broadcast_in_dim3A_92, %add3A_53], %gather3A_93 : memref<64x256xf32, #tpu.memory_space<vmem>>[vector<16xi32>, vector<16xi32>], vector<16xf32>,
      %broadcast_in_dim3A_94 = arith.constant 14 : i32
      %broadcast_in_dim3A_95 = vector.broadcast %broadcast_in_dim3A_94 : i32 to vector<16xi32>
      %gather3A_96 = tpu.vector_load_idx %arg6[%broadcast_in_dim3A_95, %get3A_49] : memref<64x1024xf32, #tpu.memory_space<vmem>>[vector<16xi32>, vector<16xi32>], vector<16xf32>,
      tpu.vector_store_idx %arg8[%broadcast_in_dim3A_95, %add3A_53], %gather3A_96 : memref<64x256xf32, #tpu.memory_space<vmem>>[vector<16xi32>, vector<16xi32>], vector<16xf32>,
      %broadcast_in_dim3A_97 = arith.constant 15 : i32
      %broadcast_in_dim3A_98 = vector.broadcast %broadcast_in_dim3A_97 : i32 to vector<16xi32>
      %gather3A_99 = tpu.vector_load_idx %arg6[%broadcast_in_dim3A_98, %get3A_49] : memref<64x1024xf32, #tpu.memory_space<vmem>>[vector<16xi32>, vector<16xi32>], vector<16xf32>,
      tpu.vector_store_idx %arg8[%broadcast_in_dim3A_98, %add3A_53], %gather3A_99 : memref<64x256xf32, #tpu.memory_space<vmem>>[vector<16xi32>, vector<16xi32>], vector<16xf32>,
      %broadcast_in_dim3A_100 = arith.constant 16 : i32
      %broadcast_in_dim3A_101 = vector.broadcast %broadcast_in_dim3A_100 : i32 to vector<16xi32>
      %gather3A_102 = tpu.vector_load_idx %arg6[%broadcast_in_dim3A_101, %get3A_49] : memref<64x1024xf32, #tpu.memory_space<vmem>>[vector<16xi32>, vector<16xi32>], vector<16xf32>,
      tpu.vector_store_idx %arg8[%broadcast_in_dim3A_101, %add3A_53], %gather3A_102 : memref<64x256xf32, #tpu.memory_space<vmem>>[vector<16xi32>, vector<16xi32>], vector<16xf32>,
      %broadcast_in_dim3A_103 = arith.constant 17 : i32
      %broadcast_in_dim3A_104 = vector.broadcast %broadcast_in_dim3A_103 : i32 to vector<16xi32>
      %gather3A_105 = tpu.vector_load_idx %arg6[%broadcast_in_dim3A_104, %get3A_49] : memref<64x1024xf32, #tpu.memory_space<vmem>>[vector<16xi32>, vector<16xi32>], vector<16xf32>,
      tpu.vector_store_idx %arg8[%broadcast_in_dim3A_104, %add3A_53], %gather3A_105 : memref<64x256xf32, #tpu.memory_space<vmem>>[vector<16xi32>, vector<16xi32>], vector<16xf32>,
      %broadcast_in_dim3A_106 = arith.constant 18 : i32
      %broadcast_in_dim3A_107 = vector.broadcast %broadcast_in_dim3A_106 : i32 to vector<16xi32>
      %gather3A_108 = tpu.vector_load_idx %arg6[%broadcast_in_dim3A_107, %get3A_49] : memref<64x1024xf32, #tpu.memory_space<vmem>>[vector<16xi32>, vector<16xi32>], vector<16xf32>,
      tpu.vector_store_idx %arg8[%broadcast_in_dim3A_107, %add3A_53], %gather3A_108 : memref<64x256xf32, #tpu.memory_space<vmem>>[vector<16xi32>, vector<16xi32>], vector<16xf32>,
      %broadcast_in_dim3A_109 = arith.constant 19 : i32
      %broadcast_in_dim3A_110 = vector.broadcast %broadcast_in_dim3A_109 : i32 to vector<16xi32>
      %gather3A_111 = tpu.vector_load_idx %arg6[%broadcast_in_dim3A_110, %get3A_49] : memref<64x1024xf32, #tpu.memory_space<vmem>>[vector<16xi32>, vector<16xi32>], vector<16xf32>,
      tpu.vector_store_idx %arg8[%broadcast_in_dim3A_110, %add3A_53], %gather3A_111 : memref<64x256xf32, #tpu.memory_space<vmem>>[vector<16xi32>, vector<16xi32>], vector<16xf32>,
      %broadcast_in_dim3A_112 = arith.constant 20 : i32
      %broadcast_in_dim3A_113 = vector.broadcast %broadcast_in_dim3A_112 : i32 to vector<16xi32>
      %gather3A_114 = tpu.vector_load_idx %arg6[%broadcast_in_dim3A_113, %get3A_49] : memref<64x1024xf32, #tpu.memory_space<vmem>>[vector<16xi32>, vector<16xi32>], vector<16xf32>,
      tpu.vector_store_idx %arg8[%broadcast_in_dim3A_113, %add3A_53], %gather3A_114 : memref<64x256xf32, #tpu.memory_space<vmem>>[vector<16xi32>, vector<16xi32>], vector<16xf32>,
      %broadcast_in_dim3A_115 = arith.constant 21 : i32
      %broadcast_in_dim3A_116 = vector.broadcast %broadcast_in_dim3A_115 : i32 to vector<16xi32>
      %gather3A_117 = tpu.vector_load_idx %arg6[%broadcast_in_dim3A_116, %get3A_49] : memref<64x1024xf32, #tpu.memory_space<vmem>>[vector<16xi32>, vector<16xi32>], vector<16xf32>,
      tpu.vector_store_idx %arg8[%broadcast_in_dim3A_116, %add3A_53], %gather3A_117 : memref<64x256xf32, #tpu.memory_space<vmem>>[vector<16xi32>, vector<16xi32>], vector<16xf32>,
      %broadcast_in_dim3A_118 = arith.constant 22 : i32
      %broadcast_in_dim3A_119 = vector.broadcast %broadcast_in_dim3A_118 : i32 to vector<16xi32>
      %gather3A_120 = tpu.vector_load_idx %arg6[%broadcast_in_dim3A_119, %get3A_49] : memref<64x1024xf32, #tpu.memory_space<vmem>>[vector<16xi32>, vector<16xi32>], vector<16xf32>,
      tpu.vector_store_idx %arg8[%broadcast_in_dim3A_119, %add3A_53], %gather3A_120 : memref<64x256xf32, #tpu.memory_space<vmem>>[vector<16xi32>, vector<16xi32>], vector<16xf32>,
      %broadcast_in_dim3A_121 = arith.constant 23 : i32
      %broadcast_in_dim3A_122 = vector.broadcast %broadcast_in_dim3A_121 : i32 to vector<16xi32>
      %gather3A_123 = tpu.vector_load_idx %arg6[%broadcast_in_dim3A_122, %get3A_49] : memref<64x1024xf32, #tpu.memory_space<vmem>>[vector<16xi32>, vector<16xi32>], vector<16xf32>,
      tpu.vector_store_idx %arg8[%broadcast_in_dim3A_122, %add3A_53], %gather3A_123 : memref<64x256xf32, #tpu.memory_space<vmem>>[vector<16xi32>, vector<16xi32>], vector<16xf32>,
      %broadcast_in_dim3A_124 = arith.constant 24 : i32
      %broadcast_in_dim3A_125 = vector.broadcast %broadcast_in_dim3A_124 : i32 to vector<16xi32>
      %gather3A_126 = tpu.vector_load_idx %arg6[%broadcast_in_dim3A_125, %get3A_49] : memref<64x1024xf32, #tpu.memory_space<vmem>>[vector<16xi32>, vector<16xi32>], vector<16xf32>,
      tpu.vector_store_idx %arg8[%broadcast_in_dim3A_125, %add3A_53], %gather3A_126 : memref<64x256xf32, #tpu.memory_space<vmem>>[vector<16xi32>, vector<16xi32>], vector<16xf32>,
      %broadcast_in_dim3A_127 = arith.constant 25 : i32
      %broadcast_in_dim3A_128 = vector.broadcast %broadcast_in_dim3A_127 : i32 to vector<16xi32>
      %gather3A_129 = tpu.vector_load_idx %arg6[%broadcast_in_dim3A_128, %get3A_49] : memref<64x1024xf32, #tpu.memory_space<vmem>>[vector<16xi32>, vector<16xi32>], vector<16xf32>,
      tpu.vector_store_idx %arg8[%broadcast_in_dim3A_128, %add3A_53], %gather3A_129 : memref<64x256xf32, #tpu.memory_space<vmem>>[vector<16xi32>, vector<16xi32>], vector<16xf32>,
      %broadcast_in_dim3A_130 = arith.constant 26 : i32
      %broadcast_in_dim3A_131 = vector.broadcast %broadcast_in_dim3A_130 : i32 to vector<16xi32>
      %gather3A_132 = tpu.vector_load_idx %arg6[%broadcast_in_dim3A_131, %get3A_49] : memref<64x1024xf32, #tpu.memory_space<vmem>>[vector<16xi32>, vector<16xi32>], vector<16xf32>,
      tpu.vector_store_idx %arg8[%broadcast_in_dim3A_131, %add3A_53], %gather3A_132 : memref<64x256xf32, #tpu.memory_space<vmem>>[vector<16xi32>, vector<16xi32>], vector<16xf32>,
      %broadcast_in_dim3A_133 = arith.constant 27 : i32
      %broadcast_in_dim3A_134 = vector.broadcast %broadcast_in_dim3A_133 : i32 to vector<16xi32>
      %gather3A_135 = tpu.vector_load_idx %arg6[%broadcast_in_dim3A_134, %get3A_49] : memref<64x1024xf32, #tpu.memory_space<vmem>>[vector<16xi32>, vector<16xi32>], vector<16xf32>,
      tpu.vector_store_idx %arg8[%broadcast_in_dim3A_134, %add3A_53], %gather3A_135 : memref<64x256xf32, #tpu.memory_space<vmem>>[vector<16xi32>, vector<16xi32>], vector<16xf32>,
      %broadcast_in_dim3A_136 = arith.constant 28 : i32
      %broadcast_in_dim3A_137 = vector.broadcast %broadcast_in_dim3A_136 : i32 to vector<16xi32>
      %gather3A_138 = tpu.vector_load_idx %arg6[%broadcast_in_dim3A_137, %get3A_49] : memref<64x1024xf32, #tpu.memory_space<vmem>>[vector<16xi32>, vector<16xi32>], vector<16xf32>,
      tpu.vector_store_idx %arg8[%broadcast_in_dim3A_137, %add3A_53], %gather3A_138 : memref<64x256xf32, #tpu.memory_space<vmem>>[vector<16xi32>, vector<16xi32>], vector<16xf32>,
      %broadcast_in_dim3A_139 = arith.constant 29 : i32
      %broadcast_in_dim3A_140 = vector.broadcast %broadcast_in_dim3A_139 : i32 to vector<16xi32>
      %gather3A_141 = tpu.vector_load_idx %arg6[%broadcast_in_dim3A_140, %get3A_49] : memref<64x1024xf32, #tpu.memory_space<vmem>>[vector<16xi32>, vector<16xi32>], vector<16xf32>,
      tpu.vector_store_idx %arg8[%broadcast_in_dim3A_140, %add3A_53], %gather3A_141 : memref<64x256xf32, #tpu.memory_space<vmem>>[vector<16xi32>, vector<16xi32>], vector<16xf32>,
      %broadcast_in_dim3A_142 = arith.constant 30 : i32
      %broadcast_in_dim3A_143 = vector.broadcast %broadcast_in_dim3A_142 : i32 to vector<16xi32>
      %gather3A_144 = tpu.vector_load_idx %arg6[%broadcast_in_dim3A_143, %get3A_49] : memref<64x1024xf32, #tpu.memory_space<vmem>>[vector<16xi32>, vector<16xi32>], vector<16xf32>,
      tpu.vector_store_idx %arg8[%broadcast_in_dim3A_143, %add3A_53], %gather3A_144 : memref<64x256xf32, #tpu.memory_space<vmem>>[vector<16xi32>, vector<16xi32>], vector<16xf32>,
      %broadcast_in_dim3A_145 = arith.constant 31 : i32
      %broadcast_in_dim3A_146 = vector.broadcast %broadcast_in_dim3A_145 : i32 to vector<16xi32>
      %gather3A_147 = tpu.vector_load_idx %arg6[%broadcast_in_dim3A_146, %get3A_49] : memref<64x1024xf32, #tpu.memory_space<vmem>>[vector<16xi32>, vector<16xi32>], vector<16xf32>,
      tpu.vector_store_idx %arg8[%broadcast_in_dim3A_146, %add3A_53], %gather3A_147 : memref<64x256xf32, #tpu.memory_space<vmem>>[vector<16xi32>, vector<16xi32>], vector<16xf32>,
      %broadcast_in_dim3A_148 = arith.constant 32 : i32
      %broadcast_in_dim3A_149 = vector.broadcast %broadcast_in_dim3A_148 : i32 to vector<16xi32>
      %gather3A_150 = tpu.vector_load_idx %arg6[%broadcast_in_dim3A_149, %get3A_49] : memref<64x1024xf32, #tpu.memory_space<vmem>>[vector<16xi32>, vector<16xi32>], vector<16xf32>,
      tpu.vector_store_idx %arg8[%broadcast_in_dim3A_149, %add3A_53], %gather3A_150 : memref<64x256xf32, #tpu.memory_space<vmem>>[vector<16xi32>, vector<16xi32>], vector<16xf32>,
      %broadcast_in_dim3A_151 = arith.constant 33 : i32
      %broadcast_in_dim3A_152 = vector.broadcast %broadcast_in_dim3A_151 : i32 to vector<16xi32>
      %gather3A_153 = tpu.vector_load_idx %arg6[%broadcast_in_dim3A_152, %get3A_49] : memref<64x1024xf32, #tpu.memory_space<vmem>>[vector<16xi32>, vector<16xi32>], vector<16xf32>,
      tpu.vector_store_idx %arg8[%broadcast_in_dim3A_152, %add3A_53], %gather3A_153 : memref<64x256xf32, #tpu.memory_space<vmem>>[vector<16xi32>, vector<16xi32>], vector<16xf32>,
      %broadcast_in_dim3A_154 = arith.constant 34 : i32
      %broadcast_in_dim3A_155 = vector.broadcast %broadcast_in_dim3A_154 : i32 to vector<16xi32>
      %gather3A_156 = tpu.vector_load_idx %arg6[%broadcast_in_dim3A_155, %get3A_49] : memref<64x1024xf32, #tpu.memory_space<vmem>>[vector<16xi32>, vector<16xi32>], vector<16xf32>,
      tpu.vector_store_idx %arg8[%broadcast_in_dim3A_155, %add3A_53], %gather3A_156 : memref<64x256xf32, #tpu.memory_space<vmem>>[vector<16xi32>, vector<16xi32>], vector<16xf32>,
      %broadcast_in_dim3A_157 = arith.constant 35 : i32
      %broadcast_in_dim3A_158 = vector.broadcast %broadcast_in_dim3A_157 : i32 to vector<16xi32>
      %gather3A_159 = tpu.vector_load_idx %arg6[%broadcast_in_dim3A_158, %get3A_49] : memref<64x1024xf32, #tpu.memory_space<vmem>>[vector<16xi32>, vector<16xi32>], vector<16xf32>,
      tpu.vector_store_idx %arg8[%broadcast_in_dim3A_158, %add3A_53], %gather3A_159 : memref<64x256xf32, #tpu.memory_space<vmem>>[vector<16xi32>, vector<16xi32>], vector<16xf32>,
      %broadcast_in_dim3A_160 = arith.constant 36 : i32
      %broadcast_in_dim3A_161 = vector.broadcast %broadcast_in_dim3A_160 : i32 to vector<16xi32>
      %gather3A_162 = tpu.vector_load_idx %arg6[%broadcast_in_dim3A_161, %get3A_49] : memref<64x1024xf32, #tpu.memory_space<vmem>>[vector<16xi32>, vector<16xi32>], vector<16xf32>,
      tpu.vector_store_idx %arg8[%broadcast_in_dim3A_161, %add3A_53], %gather3A_162 : memref<64x256xf32, #tpu.memory_space<vmem>>[vector<16xi32>, vector<16xi32>], vector<16xf32>,
      %broadcast_in_dim3A_163 = arith.constant 37 : i32
      %broadcast_in_dim3A_164 = vector.broadcast %broadcast_in_dim3A_163 : i32 to vector<16xi32>
      %gather3A_165 = tpu.vector_load_idx %arg6[%broadcast_in_dim3A_164, %get3A_49] : memref<64x1024xf32, #tpu.memory_space<vmem>>[vector<16xi32>, vector<16xi32>], vector<16xf32>,
      tpu.vector_store_idx %arg8[%broadcast_in_dim3A_164, %add3A_53], %gather3A_165 : memref<64x256xf32, #tpu.memory_space<vmem>>[vector<16xi32>, vector<16xi32>], vector<16xf32>,
      %broadcast_in_dim3A_166 = arith.constant 38 : i32
      %broadcast_in_dim3A_167 = vector.broadcast %broadcast_in_dim3A_166 : i32 to vector<16xi32>
      %gather3A_168 = tpu.vector_load_idx %arg6[%broadcast_in_dim3A_167, %get3A_49] : memref<64x1024xf32, #tpu.memory_space<vmem>>[vector<16xi32>, vector<16xi32>], vector<16xf32>,
      tpu.vector_store_idx %arg8[%broadcast_in_dim3A_167, %add3A_53], %gather3A_168 : memref<64x256xf32, #tpu.memory_space<vmem>>[vector<16xi32>, vector<16xi32>], vector<16xf32>,
      %broadcast_in_dim3A_169 = arith.constant 39 : i32
      %broadcast_in_dim3A_170 = vector.broadcast %broadcast_in_dim3A_169 : i32 to vector<16xi32>
      %gather3A_171 = tpu.vector_load_idx %arg6[%broadcast_in_dim3A_170, %get3A_49] : memref<64x1024xf32, #tpu.memory_space<vmem>>[vector<16xi32>, vector<16xi32>], vector<16xf32>,
      tpu.vector_store_idx %arg8[%broadcast_in_dim3A_170, %add3A_53], %gather3A_171 : memref<64x256xf32, #tpu.memory_space<vmem>>[vector<16xi32>, vector<16xi32>], vector<16xf32>,
      %broadcast_in_dim3A_172 = arith.constant 40 : i32
      %broadcast_in_dim3A_173 = vector.broadcast %broadcast_in_dim3A_172 : i32 to vector<16xi32>
      %gather3A_174 = tpu.vector_load_idx %arg6[%broadcast_in_dim3A_173, %get3A_49] : memref<64x1024xf32, #tpu.memory_space<vmem>>[vector<16xi32>, vector<16xi32>], vector<16xf32>,
      tpu.vector_store_idx %arg8[%broadcast_in_dim3A_173, %add3A_53], %gather3A_174 : memref<64x256xf32, #tpu.memory_space<vmem>>[vector<16xi32>, vector<16xi32>], vector<16xf32>,
      %broadcast_in_dim3A_175 = arith.constant 41 : i32
      %broadcast_in_dim3A_176 = vector.broadcast %broadcast_in_dim3A_175 : i32 to vector<16xi32>
      %gather3A_177 = tpu.vector_load_idx %arg6[%broadcast_in_dim3A_176, %get3A_49] : memref<64x1024xf32, #tpu.memory_space<vmem>>[vector<16xi32>, vector<16xi32>], vector<16xf32>,
      tpu.vector_store_idx %arg8[%broadcast_in_dim3A_176, %add3A_53], %gather3A_177 : memref<64x256xf32, #tpu.memory_space<vmem>>[vector<16xi32>, vector<16xi32>], vector<16xf32>,
      %broadcast_in_dim3A_178 = arith.constant 42 : i32
      %broadcast_in_dim3A_179 = vector.broadcast %broadcast_in_dim3A_178 : i32 to vector<16xi32>
      %gather3A_180 = tpu.vector_load_idx %arg6[%broadcast_in_dim3A_179, %get3A_49] : memref<64x1024xf32, #tpu.memory_space<vmem>>[vector<16xi32>, vector<16xi32>], vector<16xf32>,
      tpu.vector_store_idx %arg8[%broadcast_in_dim3A_179, %add3A_53], %gather3A_180 : memref<64x256xf32, #tpu.memory_space<vmem>>[vector<16xi32>, vector<16xi32>], vector<16xf32>,
      %broadcast_in_dim3A_181 = arith.constant 43 : i32
      %broadcast_in_dim3A_182 = vector.broadcast %broadcast_in_dim3A_181 : i32 to vector<16xi32>
      %gather3A_183 = tpu.vector_load_idx %arg6[%broadcast_in_dim3A_182, %get3A_49] : memref<64x1024xf32, #tpu.memory_space<vmem>>[vector<16xi32>, vector<16xi32>], vector<16xf32>,
      tpu.vector_store_idx %arg8[%broadcast_in_dim3A_182, %add3A_53], %gather3A_183 : memref<64x256xf32, #tpu.memory_space<vmem>>[vector<16xi32>, vector<16xi32>], vector<16xf32>,
      %broadcast_in_dim3A_184 = arith.constant 44 : i32
      %broadcast_in_dim3A_185 = vector.broadcast %broadcast_in_dim3A_184 : i32 to vector<16xi32>
      %gather3A_186 = tpu.vector_load_idx %arg6[%broadcast_in_dim3A_185, %get3A_49] : memref<64x1024xf32, #tpu.memory_space<vmem>>[vector<16xi32>, vector<16xi32>], vector<16xf32>,
      tpu.vector_store_idx %arg8[%broadcast_in_dim3A_185, %add3A_53], %gather3A_186 : memref<64x256xf32, #tpu.memory_space<vmem>>[vector<16xi32>, vector<16xi32>], vector<16xf32>,
      %broadcast_in_dim3A_187 = arith.constant 45 : i32
      %broadcast_in_dim3A_188 = vector.broadcast %broadcast_in_dim3A_187 : i32 to vector<16xi32>
      %gather3A_189 = tpu.vector_load_idx %arg6[%broadcast_in_dim3A_188, %get3A_49] : memref<64x1024xf32, #tpu.memory_space<vmem>>[vector<16xi32>, vector<16xi32>], vector<16xf32>,
      tpu.vector_store_idx %arg8[%broadcast_in_dim3A_188, %add3A_53], %gather3A_189 : memref<64x256xf32, #tpu.memory_space<vmem>>[vector<16xi32>, vector<16xi32>], vector<16xf32>,
      %broadcast_in_dim3A_190 = arith.constant 46 : i32
      %broadcast_in_dim3A_191 = vector.broadcast %broadcast_in_dim3A_190 : i32 to vector<16xi32>
      %gather3A_192 = tpu.vector_load_idx %arg6[%broadcast_in_dim3A_191, %get3A_49] : memref<64x1024xf32, #tpu.memory_space<vmem>>[vector<16xi32>, vector<16xi32>], vector<16xf32>,
      tpu.vector_store_idx %arg8[%broadcast_in_dim3A_191, %add3A_53], %gather3A_192 : memref<64x256xf32, #tpu.memory_space<vmem>>[vector<16xi32>, vector<16xi32>], vector<16xf32>,
      %broadcast_in_dim3A_193 = arith.constant 47 : i32
      %broadcast_in_dim3A_194 = vector.broadcast %broadcast_in_dim3A_193 : i32 to vector<16xi32>
      %gather3A_195 = tpu.vector_load_idx %arg6[%broadcast_in_dim3A_194, %get3A_49] : memref<64x1024xf32, #tpu.memory_space<vmem>>[vector<16xi32>, vector<16xi32>], vector<16xf32>,
      tpu.vector_store_idx %arg8[%broadcast_in_dim3A_194, %add3A_53], %gather3A_195 : memref<64x256xf32, #tpu.memory_space<vmem>>[vector<16xi32>, vector<16xi32>], vector<16xf32>,
      %broadcast_in_dim3A_196 = arith.constant 48 : i32
      %broadcast_in_dim3A_197 = vector.broadcast %broadcast_in_dim3A_196 : i32 to vector<16xi32>
      %gather3A_198 = tpu.vector_load_idx %arg6[%broadcast_in_dim3A_197, %get3A_49] : memref<64x1024xf32, #tpu.memory_space<vmem>>[vector<16xi32>, vector<16xi32>], vector<16xf32>,
      tpu.vector_store_idx %arg8[%broadcast_in_dim3A_197, %add3A_53], %gather3A_198 : memref<64x256xf32, #tpu.memory_space<vmem>>[vector<16xi32>, vector<16xi32>], vector<16xf32>,
      %broadcast_in_dim3A_199 = arith.constant 49 : i32
      %broadcast_in_dim3A_200 = vector.broadcast %broadcast_in_dim3A_199 : i32 to vector<16xi32>
      %gather3A_201 = tpu.vector_load_idx %arg6[%broadcast_in_dim3A_200, %get3A_49] : memref<64x1024xf32, #tpu.memory_space<vmem>>[vector<16xi32>, vector<16xi32>], vector<16xf32>,
      tpu.vector_store_idx %arg8[%broadcast_in_dim3A_200, %add3A_53], %gather3A_201 : memref<64x256xf32, #tpu.memory_space<vmem>>[vector<16xi32>, vector<16xi32>], vector<16xf32>,
      %broadcast_in_dim3A_202 = arith.constant 50 : i32
      %broadcast_in_dim3A_203 = vector.broadcast %broadcast_in_dim3A_202 : i32 to vector<16xi32>
      %gather3A_204 = tpu.vector_load_idx %arg6[%broadcast_in_dim3A_203, %get3A_49] : memref<64x1024xf32, #tpu.memory_space<vmem>>[vector<16xi32>, vector<16xi32>], vector<16xf32>,
      tpu.vector_store_idx %arg8[%broadcast_in_dim3A_203, %add3A_53], %gather3A_204 : memref<64x256xf32, #tpu.memory_space<vmem>>[vector<16xi32>, vector<16xi32>], vector<16xf32>,
      %broadcast_in_dim3A_205 = arith.constant 51 : i32
      %broadcast_in_dim3A_206 = vector.broadcast %broadcast_in_dim3A_205 : i32 to vector<16xi32>
      %gather3A_207 = tpu.vector_load_idx %arg6[%broadcast_in_dim3A_206, %get3A_49] : memref<64x1024xf32, #tpu.memory_space<vmem>>[vector<16xi32>, vector<16xi32>], vector<16xf32>,
      tpu.vector_store_idx %arg8[%broadcast_in_dim3A_206, %add3A_53], %gather3A_207 : memref<64x256xf32, #tpu.memory_space<vmem>>[vector<16xi32>, vector<16xi32>], vector<16xf32>,
      %broadcast_in_dim3A_208 = arith.constant 52 : i32
      %broadcast_in_dim3A_209 = vector.broadcast %broadcast_in_dim3A_208 : i32 to vector<16xi32>
      %gather3A_210 = tpu.vector_load_idx %arg6[%broadcast_in_dim3A_209, %get3A_49] : memref<64x1024xf32, #tpu.memory_space<vmem>>[vector<16xi32>, vector<16xi32>], vector<16xf32>,
      tpu.vector_store_idx %arg8[%broadcast_in_dim3A_209, %add3A_53], %gather3A_210 : memref<64x256xf32, #tpu.memory_space<vmem>>[vector<16xi32>, vector<16xi32>], vector<16xf32>,
      %broadcast_in_dim3A_211 = arith.constant 53 : i32
      %broadcast_in_dim3A_212 = vector.broadcast %broadcast_in_dim3A_211 : i32 to vector<16xi32>
      %gather3A_213 = tpu.vector_load_idx %arg6[%broadcast_in_dim3A_212, %get3A_49] : memref<64x1024xf32, #tpu.memory_space<vmem>>[vector<16xi32>, vector<16xi32>], vector<16xf32>,
      tpu.vector_store_idx %arg8[%broadcast_in_dim3A_212, %add3A_53], %gather3A_213 : memref<64x256xf32, #tpu.memory_space<vmem>>[vector<16xi32>, vector<16xi32>], vector<16xf32>,
      %broadcast_in_dim3A_214 = arith.constant 54 : i32
      %broadcast_in_dim3A_215 = vector.broadcast %broadcast_in_dim3A_214 : i32 to vector<16xi32>
      %gather3A_216 = tpu.vector_load_idx %arg6[%broadcast_in_dim3A_215, %get3A_49] : memref<64x1024xf32, #tpu.memory_space<vmem>>[vector<16xi32>, vector<16xi32>], vector<16xf32>,
      tpu.vector_store_idx %arg8[%broadcast_in_dim3A_215, %add3A_53], %gather3A_216 : memref<64x256xf32, #tpu.memory_space<vmem>>[vector<16xi32>, vector<16xi32>], vector<16xf32>,
      %broadcast_in_dim3A_217 = arith.constant 55 : i32
      %broadcast_in_dim3A_218 = vector.broadcast %broadcast_in_dim3A_217 : i32 to vector<16xi32>
      %gather3A_219 = tpu.vector_load_idx %arg6[%broadcast_in_dim3A_218, %get3A_49] : memref<64x1024xf32, #tpu.memory_space<vmem>>[vector<16xi32>, vector<16xi32>], vector<16xf32>,
      tpu.vector_store_idx %arg8[%broadcast_in_dim3A_218, %add3A_53], %gather3A_219 : memref<64x256xf32, #tpu.memory_space<vmem>>[vector<16xi32>, vector<16xi32>], vector<16xf32>,
      %broadcast_in_dim3A_220 = arith.constant 56 : i32
      %broadcast_in_dim3A_221 = vector.broadcast %broadcast_in_dim3A_220 : i32 to vector<16xi32>
      %gather3A_222 = tpu.vector_load_idx %arg6[%broadcast_in_dim3A_221, %get3A_49] : memref<64x1024xf32, #tpu.memory_space<vmem>>[vector<16xi32>, vector<16xi32>], vector<16xf32>,
      tpu.vector_store_idx %arg8[%broadcast_in_dim3A_221, %add3A_53], %gather3A_222 : memref<64x256xf32, #tpu.memory_space<vmem>>[vector<16xi32>, vector<16xi32>], vector<16xf32>,
      %broadcast_in_dim3A_223 = arith.constant 57 : i32
      %broadcast_in_dim3A_224 = vector.broadcast %broadcast_in_dim3A_223 : i32 to vector<16xi32>
      %gather3A_225 = tpu.vector_load_idx %arg6[%broadcast_in_dim3A_224, %get3A_49] : memref<64x1024xf32, #tpu.memory_space<vmem>>[vector<16xi32>, vector<16xi32>], vector<16xf32>,
      tpu.vector_store_idx %arg8[%broadcast_in_dim3A_224, %add3A_53], %gather3A_225 : memref<64x256xf32, #tpu.memory_space<vmem>>[vector<16xi32>, vector<16xi32>], vector<16xf32>,
      %broadcast_in_dim3A_226 = arith.constant 58 : i32
      %broadcast_in_dim3A_227 = vector.broadcast %broadcast_in_dim3A_226 : i32 to vector<16xi32>
      %gather3A_228 = tpu.vector_load_idx %arg6[%broadcast_in_dim3A_227, %get3A_49] : memref<64x1024xf32, #tpu.memory_space<vmem>>[vector<16xi32>, vector<16xi32>], vector<16xf32>,
      tpu.vector_store_idx %arg8[%broadcast_in_dim3A_227, %add3A_53], %gather3A_228 : memref<64x256xf32, #tpu.memory_space<vmem>>[vector<16xi32>, vector<16xi32>], vector<16xf32>,
      %broadcast_in_dim3A_229 = arith.constant 59 : i32
      %broadcast_in_dim3A_230 = vector.broadcast %broadcast_in_dim3A_229 : i32 to vector<16xi32>
      %gather3A_231 = tpu.vector_load_idx %arg6[%broadcast_in_dim3A_230, %get3A_49] : memref<64x1024xf32, #tpu.memory_space<vmem>>[vector<16xi32>, vector<16xi32>], vector<16xf32>,
      tpu.vector_store_idx %arg8[%broadcast_in_dim3A_230, %add3A_53], %gather3A_231 : memref<64x256xf32, #tpu.memory_space<vmem>>[vector<16xi32>, vector<16xi32>], vector<16xf32>,
      %broadcast_in_dim3A_232 = arith.constant 60 : i32
      %broadcast_in_dim3A_233 = vector.broadcast %broadcast_in_dim3A_232 : i32 to vector<16xi32>
      %gather3A_234 = tpu.vector_load_idx %arg6[%broadcast_in_dim3A_233, %get3A_49] : memref<64x1024xf32, #tpu.memory_space<vmem>>[vector<16xi32>, vector<16xi32>], vector<16xf32>,
      tpu.vector_store_idx %arg8[%broadcast_in_dim3A_233, %add3A_53], %gather3A_234 : memref<64x256xf32, #tpu.memory_space<vmem>>[vector<16xi32>, vector<16xi32>], vector<16xf32>,
      %broadcast_in_dim3A_235 = arith.constant 61 : i32
      %broadcast_in_dim3A_236 = vector.broadcast %broadcast_in_dim3A_235 : i32 to vector<16xi32>
      %gather3A_237 = tpu.vector_load_idx %arg6[%broadcast_in_dim3A_236, %get3A_49] : memref<64x1024xf32, #tpu.memory_space<vmem>>[vector<16xi32>, vector<16xi32>], vector<16xf32>,
      tpu.vector_store_idx %arg8[%broadcast_in_dim3A_236, %add3A_53], %gather3A_237 : memref<64x256xf32, #tpu.memory_space<vmem>>[vector<16xi32>, vector<16xi32>], vector<16xf32>,
      %broadcast_in_dim3A_238 = arith.constant 62 : i32
      %broadcast_in_dim3A_239 = vector.broadcast %broadcast_in_dim3A_238 : i32 to vector<16xi32>
      %gather3A_240 = tpu.vector_load_idx %arg6[%broadcast_in_dim3A_239, %get3A_49] : memref<64x1024xf32, #tpu.memory_space<vmem>>[vector<16xi32>, vector<16xi32>], vector<16xf32>,
      tpu.vector_store_idx %arg8[%broadcast_in_dim3A_239, %add3A_53], %gather3A_240 : memref<64x256xf32, #tpu.memory_space<vmem>>[vector<16xi32>, vector<16xi32>], vector<16xf32>,
      %broadcast_in_dim3A_241 = arith.constant 63 : i32
      %broadcast_in_dim3A_242 = vector.broadcast %broadcast_in_dim3A_241 : i32 to vector<16xi32>
      %gather3A_243 = tpu.vector_load_idx %arg6[%broadcast_in_dim3A_242, %get3A_49] : memref<64x1024xf32, #tpu.memory_space<vmem>>[vector<16xi32>, vector<16xi32>], vector<16xf32>,
      tpu.vector_store_idx %arg8[%broadcast_in_dim3A_242, %add3A_53], %gather3A_243 : memref<64x256xf32, #tpu.memory_space<vmem>>[vector<16xi32>, vector<16xi32>], vector<16xf32>,
    }
    %scan3A_8 = arith.constant 16 : i32
    %jit3A = arith.constant 4 : i32
    "tpu.trace_stop"() : () -> ()
    "tpu.trace_start"() <{level = 10 : i32, message = "sc_writeback"}> : () -> ()
    %div3A = arith.divsi %add3A, %jit3A : i32
    %sign3A = arith.constant 0 : i32
    %sign3A_9 = arith.cmpi sgt, %add3A, %sign3A : i32
    %sign3A_10 = arith.extui %sign3A_9 : i1 to i32
    %sign3A_11 = arith.constant 0 : i32
    %sign3A_12 = arith.cmpi slt, %add3A, %sign3A_11 : i32
    %sign3A_13 = arith.extui %sign3A_12 : i1 to i32
    %sign3A_14 = arith.subi %sign3A_10, %sign3A_13 : i32
    %sign3A_15 = arith.constant 0 : i32
    %sign3A_16 = arith.cmpi sgt, %jit3A, %sign3A_15 : i32
    %sign3A_17 = arith.extui %sign3A_16 : i1 to i32
    %sign3A_18 = arith.constant 0 : i32
    %sign3A_19 = arith.cmpi slt, %jit3A, %sign3A_18 : i32
    %sign3A_20 = arith.extui %sign3A_19 : i1 to i32
    %sign3A_21 = arith.subi %sign3A_17, %sign3A_20 : i32
    %ne3A = arith.cmpi ne, %sign3A_14, %sign3A_21 : i32
    %rem3A = arith.remsi %add3A, %jit3A : i32
    %ne3A_22 = arith.constant 0 : i32
    %ne3A_23 = arith.cmpi ne, %rem3A, %ne3A_22 : i32
    %and3A = arith.andi %ne3A, %ne3A_23 : i1
    %sub3A = arith.constant 1 : i32
    %sub3A_24 = arith.subi %div3A, %sub3A : i32
    %select_n3A = arith.select %and3A, %sub3A_24, %div3A : i32
    %jit3A_25 = arith.constant 4 : i32
    %eq3A_26 = arith.constant 0 : i32
    %eq3A_27 = arith.cmpi eq, %jit3A_25, %eq3A_26 : i32
    %jit3A_28 = arith.constant 1 : i32
    %select_n3A_29 = arith.select %eq3A_27, %jit3A_28, %jit3A_25 : i32
    %rem3A_30 = arith.remsi %add3A, %select_n3A_29 : i32
    %ne3A_31 = arith.constant 0 : i32
    %ne3A_32 = arith.cmpi ne, %rem3A_30, %ne3A_31 : i32
    %lt3A = arith.constant 0 : i32
    %lt3A_33 = arith.cmpi slt, %rem3A_30, %lt3A : i32
    %lt3A_34 = arith.constant 0 : i32
    %lt3A_35 = arith.cmpi slt, %select_n3A_29, %lt3A_34 : i32
    %ne3A_36 = arith.xori %lt3A_33, %lt3A_35 : i1
    %and3A_37 = arith.andi %ne3A_36, %ne3A_32 : i1
    %add3A_38 = arith.addi %rem3A_30, %select_n3A_29 : i32
    %select_n3A_39 = arith.select %and3A_37, %add3A_38, %rem3A_30 : i32
    %mul3A_40 = arith.constant 256 : i32
    %mul3A_41 = arith.muli %select_n3A_39, %mul3A_40 : i32
    "tpu.region"() ({
      %run_scoped3A = tpu.sem_alloc : memref<!tpu.dma_semaphore, #tpu.memory_space<semaphore_mem>>
      %dma_start3A = arith.constant 0 : i32
      %dma_start3A_42 = tpu.memref_slice %arg4[%select_n3A, %dma_start3A, %mul3A_41] : memref<8x64x1024xf32, #tpu.memory_space<hbm>> -> memref<1x64x256xf32, #tpu.memory_space<hbm>>
      %dma_start3A_43 = tpu.memref_squeeze %dma_start3A_42 : memref<1x64x256xf32, #tpu.memory_space<hbm>> -> memref<64x256xf32, #tpu.memory_space<hbm>>
      %dma_start3A_44 = arith.constant 0 : i32
      %dma_start3A_45 = tpu.memref_slice %arg4[%select_n3A, %dma_start3A_44, %mul3A_41] : memref<8x64x1024xf32, #tpu.memory_space<hbm>> -> memref<1x64x256xf32, #tpu.memory_space<hbm>>
      %dma_start3A_46 = tpu.memref_squeeze %dma_start3A_45 : memref<1x64x256xf32, #tpu.memory_space<hbm>> -> memref<64x256xf32, #tpu.memory_space<hbm>>
      tpu.enqueue_dma source(%arg8 : memref<64x256xf32, #tpu.memory_space<vmem>>) target(%dma_start3A_46 : memref<64x256xf32, #tpu.memory_space<hbm>>) target_semaphore(%run_scoped3A : memref<!tpu.dma_semaphore, #tpu.memory_space<semaphore_mem>>)
      %dma_wait3A = arith.constant 0 : i32
      %dma_wait3A_47 = tpu.memref_slice %arg4[%select_n3A, %dma_wait3A, %mul3A_41] : memref<8x64x1024xf32, #tpu.memory_space<hbm>> -> memref<1x64x256xf32, #tpu.memory_space<hbm>>
      %dma_wait3A_48 = tpu.memref_squeeze %dma_wait3A_47 : memref<1x64x256xf32, #tpu.memory_space<hbm>> -> memref<64x256xf32, #tpu.memory_space<hbm>>
      %dma_wait3A_49 = arith.constant 0 : i32
      %dma_wait3A_50 = tpu.memref_slice %arg4[%select_n3A, %dma_wait3A_49, %mul3A_41] : memref<8x64x1024xf32, #tpu.memory_space<hbm>> -> memref<1x64x256xf32, #tpu.memory_space<hbm>>
      %dma_wait3A_51 = tpu.memref_squeeze %dma_wait3A_50 : memref<1x64x256xf32, #tpu.memory_space<hbm>> -> memref<64x256xf32, #tpu.memory_space<hbm>>
      tpu.wait_dma2 semaphore(%run_scoped3A : memref<!tpu.dma_semaphore, #tpu.memory_space<semaphore_mem>>) src(%arg8 : memref<64x256xf32, #tpu.memory_space<vmem>>) dst(%dma_wait3A_51 : memref<64x256xf32, #tpu.memory_space<hbm>>)
      tpu.yield
    }) : () -> ()
    "tpu.trace_stop"() : () -> ()
    return
  }
}

module attributes {stable_mosaic.version = 14 : i64} {
  func.func @_tc_body(%arg0: i32, %arg1: memref<1x1024x64xf32, #tpu.memory_space<vmem>>, %arg2: memref<64x1024xf32, #tpu.memory_space<vmem>>, %arg3: memref<1x1024xf32, #tpu.memory_space<vmem>>, %arg4: memref<1x1024xf32, #tpu.memory_space<vmem>>, %arg5: memref<1024xi32, #tpu.memory_space<vmem>>, %arg6: memref<1x1xf32, #tpu.memory_space<vmem>>) attributes {dimension_semantics = [#tpu.dimension_semantics<arbitrary>], iteration_bounds = array<i64: 8>, scalar_prefetch = 0 : i64, scratch_operands = 0 : i64, tpu.core_type = #tpu.core_type<tc>, window_params = [{transform_indices = @transform_0, window_bounds = array<i64: 1, 1024, 64>}, {pipeline_mode = #tpu.pipeline_mode<synchronous>, transform_indices = @transform_1, window_bounds = array<i64: 64, 1024>}, {pipeline_mode = #tpu.pipeline_mode<synchronous>, transform_indices = @transform_2, window_bounds = array<i64: 1, 1024>}, {pipeline_mode = #tpu.pipeline_mode<synchronous>, transform_indices = @transform_3, window_bounds = array<i64: 1, 1024>}, {transform_indices = @transform_4, window_bounds = array<i64: 1024>}, {pipeline_mode = #tpu.pipeline_mode<synchronous>, transform_indices = @transform_5, window_bounds = array<i64: 1, 1>}]} {
    %get3A = arith.constant 0 : index
    %get3A_0 = arith.constant 0 : index
    %get3A_1 = arith.constant 0 : index
    %get3A_2 = vector.load %arg1[%get3A, %get3A_0, %get3A_1] : memref<1x1024x64xf32, #tpu.memory_space<vmem>>, vector<1x1024x64xf32>
    %reshape3A = vector.shape_cast %get3A_2 : vector<1x1024x64xf32> to vector<1024x64xf32>
    %add3A = arith.addf %reshape3A, %reshape3A : vector<1024x64xf32>
    %get3A_3 = arith.constant 0 : index
    %get3A_4 = arith.constant 0 : index
    %get3A_5 = vector.load %arg2[%get3A_3, %get3A_4] : memref<64x1024xf32, #tpu.memory_space<vmem>>, vector<64x1024xf32>
    %dot_general3A = arith.constant dense<0.000000e+00> : vector<1024x1024xf32>
    %dot_general3A_6 = tpu.matmul %add3A, %get3A_5, %dot_general3A {dimension_numbers = #tpu.dot_dimension_numbers<[1], [0], [0], [1], [0, 0, 1, 1], [], []>, transpose_lhs_hint = false} : vector<1024x64xf32>, vector<64x1024xf32>, vector<1024x1024xf32> -> vector<1024x1024xf32>
    %mul3A = arith.mulf %reshape3A, %reshape3A : vector<1024x64xf32>
    %reduce_sum3A = arith.constant dense<0.000000e+00> : vector<1024xf32>
    %reduce_sum3A_7 = vector.multi_reduction <add>, %mul3A, %reduce_sum3A [1] : vector<1024x64xf32> to vector<1024xf32>
    %broadcast_in_dim3A = vector.shape_cast %reduce_sum3A_7 : vector<1024xf32> to vector<1024x1xf32>
    %get3A_8 = arith.constant 0 : index
    %get3A_9 = arith.constant 0 : index
    %get3A_10 = vector.load %arg3[%get3A_8, %get3A_9] : memref<1x1024xf32, #tpu.memory_space<vmem>>, vector<1x1024xf32>
    %add3A_11 = vector.broadcast %broadcast_in_dim3A : vector<1024x1xf32> to vector<1024x1024xf32>
    %add3A_12 = vector.broadcast %get3A_10 : vector<1x1024xf32> to vector<1024x1024xf32>
    %add3A_13 = arith.addf %add3A_11, %add3A_12 : vector<1024x1024xf32>
    %sub3A = arith.subf %add3A_13, %dot_general3A_6 : vector<1024x1024xf32>
    %reduce_min3A = arith.constant dense<0x7F800000> : vector<1024xf32>
    %reduce_min3A_14 = vector.multi_reduction <minimumf>, %sub3A, %reduce_min3A [1] : vector<1024x1024xf32> to vector<1024xf32>
    %broadcast_in_dim3A_15 = vector.shape_cast %reduce_min3A_14 : vector<1024xf32> to vector<1024x1xf32>
    %eq3A = vector.broadcast %broadcast_in_dim3A_15 : vector<1024x1xf32> to vector<1024x1024xf32>
    %eq3A_16 = arith.cmpf oeq, %sub3A, %eq3A : vector<1024x1024xf32>
    %get3A_17 = arith.constant 0 : index
    %get3A_18 = arith.constant 0 : index
    %get3A_19 = vector.load %arg4[%get3A_17, %get3A_18] : memref<1x1024xf32, #tpu.memory_space<vmem>>, vector<1x1024xf32>
    %jit3A = arith.constant 1.024000e+03 : f32
    %broadcast_in_dim3A_20 = vector.shape_cast %get3A_19 : vector<1x1024xf32> to vector<1x1024xf32>
    %broadcast_in_dim3A_21 = vector.broadcast %broadcast_in_dim3A_20 : vector<1x1024xf32> to vector<1024x1024xf32>
    %broadcast_in_dim3A_22 = vector.broadcast %jit3A : f32 to vector<1024x1024xf32>
    %select_n3A = arith.select %eq3A_16, %broadcast_in_dim3A_21, %broadcast_in_dim3A_22 : vector<1024x1024xi1>, vector<1024x1024xf32>
    %reduce_min3A_23 = arith.constant dense<0x7F800000> : vector<1024xf32>
    %reduce_min3A_24 = vector.multi_reduction <minimumf>, %select_n3A, %reduce_min3A_23 [1] : vector<1024x1024xf32> to vector<1024xf32>
    %convert_element_type3A = arith.fptosi %reduce_min3A_24 : vector<1024xf32> to vector<1024xi32>
    %swap3A = arith.constant 0 : index
    %swap3A_25 = vector.load %arg5[%swap3A] : memref<1024xi32, #tpu.memory_space<vmem>>, vector<1024xi32>
    tpu.vector_store %arg5[%swap3A], %convert_element_type3A {strides = array<i32>} : memref<1024xi32, #tpu.memory_space<vmem>>, vector<1024xi32>,
    %reduce_sum3A_26 = vector.shape_cast %broadcast_in_dim3A_15 : vector<1024x1xf32> to vector<1x1024x1xf32>
    %reduce_sum3A_27 = arith.constant dense<0.000000e+00> : vector<1xf32>
    %reduce_sum3A_28 = vector.multi_reduction <add>, %reduce_sum3A_26, %reduce_sum3A_27 [1, 2] : vector<1x1024x1xf32> to vector<1xf32>
    %reduce_sum3A_29 = vector.shape_cast %reduce_sum3A_28 : vector<1xf32> to vector<1x1x1xf32>
    %reduce_sum3A_30 = vector.extract %reduce_sum3A_29[0, 0, 0] : f32 from vector<1x1x1xf32>
    %reshape3A_31 = vector.broadcast %reduce_sum3A_30 : f32 to vector<1x1xf32>
    %eq3A_32 = arith.constant 0 : i32
    %eq3A_33 = arith.cmpi eq, %arg0, %eq3A_32 : i32
    %convert_element_type3A_34 = arith.extui %eq3A_33 : i1 to i32
    %cond3A = arith.constant 0 : i32
    %cond3A_35 = arith.cmpi ne, %convert_element_type3A_34, %cond3A : i32
    scf.if %cond3A_35 {
      %swap3A_40 = arith.constant 0 : index
      %swap3A_41 = arith.constant 0 : index
      %swap3A_42 = vector.load %arg6[%swap3A_40, %swap3A_41] : memref<1x1xf32, #tpu.memory_space<vmem>>, vector<1x1xf32>
      tpu.vector_store %arg6[%swap3A_40, %swap3A_41], %reshape3A_31 {strides = array<i32>} : memref<1x1xf32, #tpu.memory_space<vmem>>, vector<1x1xf32>,
    } else {
    }
    %gt3A = arith.constant 0 : i32
    %gt3A_36 = arith.cmpi sgt, %arg0, %gt3A : i32
    %convert_element_type3A_37 = arith.extui %gt3A_36 : i1 to i32
    %cond3A_38 = arith.constant 0 : i32
    %cond3A_39 = arith.cmpi ne, %convert_element_type3A_37, %cond3A_38 : i32
    scf.if %cond3A_39 {
      %get3A_40 = arith.constant 0 : index
      %get3A_41 = arith.constant 0 : index
      %get3A_42 = vector.load %arg6[%get3A_40, %get3A_41] : memref<1x1xf32, #tpu.memory_space<vmem>>, vector<1x1xf32>
      %add3A_43 = arith.addf %get3A_42, %reshape3A_31 : vector<1x1xf32>
      %swap3A_44 = arith.constant 0 : index
      %swap3A_45 = arith.constant 0 : index
      %swap3A_46 = vector.load %arg6[%swap3A_44, %swap3A_45] : memref<1x1xf32, #tpu.memory_space<vmem>>, vector<1x1xf32>
      tpu.vector_store %arg6[%swap3A_44, %swap3A_45], %add3A_43 {strides = array<i32>} : memref<1x1xf32, #tpu.memory_space<vmem>>, vector<1x1xf32>,
    } else {
    }
    return
  }
  func.func @transform_0(%arg0: i32) -> (i32, i32, i32) {
    %c0_i32 = arith.constant 0 : i32
    %c0_i32_0 = arith.constant 0 : i32
    %c0_i32_1 = arith.constant 0 : i32
    return %arg0, %c0_i32, %c0_i32_0 : i32, i32, i32
  }
  func.func @transform_1(%arg0: i32) -> (i32, i32) {
    %c0_i32 = arith.constant 0 : i32
    %c0_i32_0 = arith.constant 0 : i32
    %c0_i32_1 = arith.constant 0 : i32
    return %c0_i32, %c0_i32_0 : i32, i32
  }
  func.func @transform_2(%arg0: i32) -> (i32, i32) {
    %c0_i32 = arith.constant 0 : i32
    %c0_i32_0 = arith.constant 0 : i32
    %c0_i32_1 = arith.constant 0 : i32
    return %c0_i32, %c0_i32_0 : i32, i32
  }
  func.func @transform_3(%arg0: i32) -> (i32, i32) {
    %c0_i32 = arith.constant 0 : i32
    %c0_i32_0 = arith.constant 0 : i32
    %c0_i32_1 = arith.constant 0 : i32
    return %c0_i32, %c0_i32_0 : i32, i32
  }
  func.func @transform_4(%arg0: i32) -> i32 {
    %c0_i32 = arith.constant 0 : i32
    return %arg0 : i32
  }
  func.func @transform_5(%arg0: i32) -> (i32, i32) {
    %c0_i32 = arith.constant 0 : i32
    %c0_i32_0 = arith.constant 0 : i32
    %c0_i32_1 = arith.constant 0 : i32
    return %c0_i32, %c0_i32_0 : i32, i32
  }
}

</mosaic_0001>

<sc_bundles>
// kernel: kernel.4.cloned.1.call-start
scs
__scs_entry_jumppad:
0x0: {  	(pc) =	sbr.rel $0x88, $3  }
0x1: {  	(tag) =	ssettag $0x0;
	lr =	simm.s32 $0x1  }
0x2: {  	[smem:$0x3F9F] =	sst lr;
	_ =	strace $0xD0000000  }
0x3: {  	_ = 	snop  }
0x4: {  	_ = 	snop  }
0x5: {  	_ = 	snop  }
0x6: {  	_ = 	snop  }
0x7: {  	_ = 	snop  }
__scs_overlays_trampoline_lowered:
0x8: {  	[smem:$0x3FAE] =	sst s0  }
0x9: {  	[smem:$0x3FAF] =	sst s1  }
0xa: {  	[smem:$0x3FB0] =	sst s2  }
0xb: {  	[smem:$0x3FB1] =	sst s3  }
0xc: {  	[smem:$0x3FB2] =	sst s4  }
0xd: {  	[smem:$0x3FB3] =	sst s5  }
0xe: {  	[smem:$0x3FB4] =	sst s6  }
0xf: {  	[smem:$0x3FB5] =	sst s7  }
0x10: {  	[smem:$0x3FB6] =	sst s8  }
0x11: {  	[smem:$0x3FB7] =	sst s9;
	s0 =	simm.s32 @!p0 $0x0  }
0x12: {  	s1 =	sld [smem:$0x3F9D];
	s0 =	simm.s32 @p0 $0x1  }
0x13: {  	[smem:$0x3FB8] =	sst s0;
	s0 =	simm.s32 @!p1 $0x0  }
0x14: {  	s2 =	sld [smem:$0x3F9C];
	s0 =	simm.s32 @p1 $0x1  }
0x15: {  	[smem:$0x3FB9] =	sst s0;
	s0 =	simm.s32 @!p2 $0x0  }
0x16: {  	s3 =	sld [smem:$0x3FDB];
	s0 =	simm.s32 @p2 $0x1  }
0x17: {  	s4 =	simm.s32 $0x1BF5;
	[smem:$0x3FBB] =	sst s0  }
0x18: {  	s0 =	sld [smem:$0x3F9E];
	_ =	swait.ge [sflag:s4], $0x0  }
0x19: {  	s7 =	sld [smem:$0x3F9F]  }
0x1a: {  	s8 =	sadd.s32 $0xFFFFE003, lr  }
0x1b: {  	s9 =	sadd.s32 $0xFFFFFEF7, lr;
	s5 =	simm.s32 $0xFFFFFFFF;
	p2 =	slt.u32 s8, $0xFFFFF086  }
0x1c: {  	p1 =	slt.u32 s9, $0xF7A;
	s5 =	simm.s32 @!p2 $0x0  }
0x1d: {  	s5 =	simm.s32 @p1 $0x1;
	p0 =	seq.s32 s7, s2  }
0x1e: {  	s7 =	smul.u32 @!p0 $0xF7A, s2;
	p2 =	seq.s32 @!p0 s5, $0x0  }
0x1f: {  	s9 =	smul.u32 $0xF7A, s1;
	s8 =	simm.s32 @!p0 $0x1BF5;
	p2 =	por !p2, p0  }
0x20: {  	[sflag:s8] =	ssyncset.s32 @!p0 $0xFFFFF086;
	s6 =	sadd.s32 @!p0 s3, s7;
	s7 =	simm.s32 @!p0 $0x108  }
0x21: {  	s3 =	sadd.s32 s3, s9;
	s6 =	sadd.s32 @!p0 $0x88, s6;
	s7 =	simm.s32 @p2 $0x1082  }
0x22: {  	[simem:s7], [sflag:s8] =	dma.local @!p0 [hbm:s6], $0xF7A  }
0x23: {  	s9 =	sor.u32 $0xD0000000, s2;
	s6 =	simm.s32 $0x108;
	_ =	swait.ge @!p0 [sflag:s8], $0x0  }
0x24: {  	s3 =	sadd.s32 $0x88, s3;
	s6 =	simm.s32 @!p1 $0x1082;
	[sflag:s4] =	ssyncset.s32 $0xFFFFF086  }
0x25: {  	[simem:s6], [sflag:s4] =	dma.local [hbm:s3], $0xF7A  }
0x26: {  	[smem:$0x3F9F] =	sst s1;
	(tag) =	ssettag s2;
	_ =	strace s9  }
0x27: {  	s1 =	sld [smem:$0x3FAF]  }
0x28: {  	s2 =	sld [smem:$0x3FB0]  }
0x29: {  	s4 =	sld [smem:$0x3FB2]  }
0x2a: {  	p0 =	seq.s32 s5, $0x0;
	s5 =	sld [smem:$0x3FB3]  }
0x2b: {  	s6 =	sld [smem:$0x3FB4]  }
0x2c: {  	s7 =	sld [smem:$0x3FB5]  }
0x2d: {  	s3 =	simm.s32 $0x108;
	s8 =	sld [smem:$0x3FB6]  }
0x2e: {  	s3 =	simm.s32 @!p0 $0x1082;
	s9 =	sld [smem:$0x3FB7]  }
0x2f: {  	lr =	sadd.s32 s0, s3;
	s0 =	sld [smem:$0x3FAE]  }
0x30: {  	s3 =	sld [smem:$0x3FB1]  }
0x31: {  	[smem:$0x3FBA] =	sst s10  }
0x32: {  	s10 =	sld [smem:$0x3FB8];
	_ =	sdelay $0x3  }
0x33: {  	p0 =	seq.s32 s10, $0x1;
	s10 =	sld [smem:$0x3FBA];
	_ =	sdelay $0x3  }
0x34: {  	[smem:$0x3FBA] =	sst s10  }
0x35: {  	s10 =	sld [smem:$0x3FB9];
	_ =	sdelay $0x3  }
0x36: {  	p1 =	seq.s32 s10, $0x1;
	s10 =	sld [smem:$0x3FBA];
	_ =	sdelay $0x3  }
0x37: {  	[smem:$0x3FBA] =	sst s10  }
0x38: {  	s10 =	sld [smem:$0x3FBB]  }
0x39: {  	_ = 	snop;
	(pc) =	sbr.ind lr, $3  }
0x3a: {  	_ = 	snop  }
0x3b: {  	_ = 	snop  }
0x3c: {  	p2 =	seq.s32 s10, $0x1;
	s10 =	sld [smem:$0x3FBA]  }
0x3d: {  	_ =	shalt  }
0x3e: {  	_ =	shalt  }
0x3f: {  	_ =	shalt  }
0x40: {  	_ =	shalt  }
0x41: {  	_ =	shalt  }
0x42: {  	_ =	shalt  }
0x43: {  	_ =	shalt  }
0x44: {  	_ =	shalt  }
0x45: {  	_ =	shalt  }
0x46: {  	_ =	shalt  }
0x47: {  	_ =	shalt  }
0x48: {  	_ =	shalt  }
0x49: {  	_ =	shalt  }
0x4a: {  	_ =	shalt  }
0x4b: {  	_ =	shalt  }
0x4c: {  	_ =	shalt  }
0x4d: {  	_ =	shalt  }
0x4e: {  	_ =	shalt  }
0x4f: {  	_ =	shalt  }
0x50: {  	_ =	shalt  }
0x51: {  	_ =	shalt  }
0x52: {  	_ =	shalt  }
0x53: {  	_ =	shalt  }
0x54: {  	_ =	shalt  }
0x55: {  	_ =	shalt  }
0x56: {  	_ =	shalt  }
0x57: {  	_ =	shalt  }
0x58: {  	_ =	shalt  }
0x59: {  	_ =	shalt  }
0x5a: {  	_ =	shalt  }
0x5b: {  	_ =	shalt  }
0x5c: {  	_ =	shalt  }
0x5d: {  	_ =	shalt  }
0x5e: {  	_ =	shalt  }
0x5f: {  	_ =	shalt  }
0x60: {  	_ =	shalt  }
0x61: {  	_ =	shalt  }
0x62: {  	_ =	shalt  }
0x63: {  	_ =	shalt  }
0x64: {  	_ =	shalt  }
0x65: {  	_ =	shalt  }
0x66: {  	_ =	shalt  }
0x67: {  	_ =	shalt  }
0x68: {  	_ =	shalt  }
0x69: {  	_ =	shalt  }
0x6a: {  	_ =	shalt  }
0x6b: {  	_ =	shalt  }
0x6c: {  	_ =	shalt  }
0x6d: {  	_ =	shalt  }
0x6e: {  	_ =	shalt  }
0x6f: {  	_ =	shalt  }
0x70: {  	_ =	shalt  }
0x71: {  	_ =	shalt  }
0x72: {  	_ =	shalt  }
0x73: {  	_ =	shalt  }
0x74: {  	_ =	shalt  }
0x75: {  	_ =	shalt  }
0x76: {  	_ =	shalt  }
0x77: {  	_ =	shalt  }
0x78: {  	_ =	shalt  }
0x79: {  	_ =	shalt  }
0x7a: {  	_ =	shalt  }
0x7b: {  	_ =	shalt  }
0x7c: {  	_ =	shalt  }
0x7d: {  	_ =	shalt  }
0x7e: {  	_ =	shalt  }
0x7f: {  	_ =	shalt  }
0x80: {  	_ =	shalt  }
0x81: {  	_ =	shalt  }
0x82: {  	_ =	shalt  }
0x83: {  	_ =	shalt  }
0x84: {  	_ =	shalt  }
0x85: {  	_ =	shalt  }
0x86: {  	_ =	shalt  }
0x87: {  	_ =	shalt  }
.Lfunc_end0:
.L_simem_size_0:
called_computation_lowered:
.L_overlay_start_0:
0x88: {  	s2 =	sld [smem:$0x3FD9]  }
0x89: {  	s3 =	sld [smem:$0x3FFE];
	_ =	sdelay $0x1  }
0x8a: {  	s1 =	srdreg.scid  }
0x8b: {  	s0 =	sand.u32 $0x1, s1  }
0x8c: {  	s14 =	sshll.u32 s0, $0xA;
	s2 =	sadd.s32 s3, s2  }
0x8d: {  	s2 =	sadd.s32 s2, s14  }
0x8e: {  	[smem:$0x3FC6] =	sst s2  }
0x8f: {  	_ = 	snop  }
0x90: {  	s2 =	sld [smem:$0x3FD0];
	_ =	sdelay $0x2  }
0x91: {  	s15 =	simm.s32 $0xA;
	s4 =	simm.s32 $0x10  }
0x92: {  	[smem:s4], [sflag:s15] =	dma.local [hbm:s2], $0x1  }
0x93: {  	_ =	swait.eq [sflag:s15], $0x1  }
0x94: {  	[sflag:s15] =	ssyncset.done $0x0  }
0x95: {  	[sflag:s15] =	ssyncadd.s32 $0xFFFFFFFF  }
0x96: {  	s16 =	sld [smem:$0x11];
	(tm) =	ssettm $0x1  }
0x97: {  	s17 =	sld [smem:$0x3FFB];
	_ =	sdelay $0x3  }
0x98: {  	_ =	strace s17  }
0x99: {  	s3 =	sld [smem:$0x3FFC];
	_ =	sdelay $0x3  }
0x9a: {  	_ =	strace s3  }
0x9b: {  	s3 =	sld [smem:$0x3FFD];
	_ =	sdelay $0x3  }
0x9c: {  	_ =	strace s3  }
0x9d: {  	_ =	strace $0x8FFFFFFF  }
0x9e: {  	s18 =	sld [smem:$0x3FDB];
	_ =	sdelay $0x1  }
0x9f: {  	s19 =	simm.s32 $_scs_section_size  }
0xa0: {  	s5 =	simm.s32 $_size__tile_overlayer_lowered;
	s6 =	simm.s32 $_tile_overlayer_lowered  }
0xa1: {  	s22 =	simm.s32 $0x1BFF;
	s21 =	sshll.u32 s6, $0x1;
	s3 =	sadd.s32 s19, s18  }
0xa2: {  	s7 =	simm.s32 $0x0;
	s20 =	sshll.u32 s5, $0x1;
	s5 =	sadd.s32 s21, s3  }
0xa3: {  	[timem:s7], [sflag:s22] =	dma.local [hbm:s5], s20  }
0xa4: {  	_ =	swait.ge [sflag:s22], s20  }
0xa5: {  	s4 =	ssub.s32 $0x0, s20;
	[sflag:s22] =	ssyncset.done $0x0  }
0xa6: {  	[sflag:s22] =	ssyncadd.s32 s4;
	_ =	sdelay $0x1  }
0xa7: {  	s23 =	simm.s32 $0x1B8B  }
0xa8: {  	_ =	swait.ge [sflag:s23], $0x1  }
0xa9: {  	[sflag:s23] =	ssyncset.done $0x0  }
0xaa: {  	s25 =	simm.s32 $0x1B8E;
	s24 =	sld [smem:$0x3FFE];
	[sflag:s23] =	ssyncadd.s32 $0xFFFFFFFF  }
0xab: {  	s26 =	simm.s32 $execute0_lowered;
	[smem:$0x3FD2] =	sst s25  }
0xac: {  	s5 =	sshll.u32 s26, $0x1;
	_ =	strace $0x80000046;
	[dreg:$0x1] =	wrdreg $0xFFFFFFFF  }
0xad: {  	s28 =	simm.s32 $_size_execute0_lowered;
	s3 =	sadd.s32 s3, s5;
	[dreg:$0x0] =	wrdreg $0x0  }
0xae: {  	s5 =	sshll.u32 s28, $0x1;
	[dreg:$0x2] =	wrdreg s3  }
0xaf: {  	[dreg:$0x3] =	wrdreg s5  }
0xb0: {  	[dreg:$0x4] =	wrdreg $0xC0  }
0xb1: {  	_ =	task [dreg:s7], $0x5FFFF  }
0xb2: {  	[dreg:$0x1] =	wrdreg $0xFFFFFFFF  }
0xb3: {  	[dreg:$0x0] =	wrdreg $0x60  }
0xb4: {  	[dreg:$0x2] =	wrdreg s16  }
0xb5: {  	[dreg:$0x3] =	wrdreg s24  }
0xb6: {  	[dreg:$0x4] =	wrdreg $0x0  }
0xb7: {  	[dreg:$0x5] =	wrdreg $0x9  }
0xb8: {  	_ =	task.clear_ibuf [dreg:s7], $0x6FFFF;
	_ =	strace $0x90000046  }
0xb9: {  	s29 =	simm.s32 $0x9;
	_ =	strace $0x8000004B  }
0xba: {  	_ =	swait.ge [sflag:s29], $0x1  }
0xbb: {  	[sflag:s29] =	ssyncadd.s32 $0xFFFFFFFF  }
0xbc: {  	_ =	strace $0x9000004B  }
0xbd: {  	_ =	sfence  }
0xbe: {  	s30 =	sld [smem:$0x0];
	_ =	sdelay $0x2  }
0xbf: {  	s31 =	sshll.u32 s1, $0xD;
	s1 =	sshrl.u32 s1, $0x2  }
0xc0: {  	s3 =	sand.u32 $0x4000, s31;
	s1 =	sadd.s32 s1, s30  }
0xc1: {  	s0 =	sor.u32 s3, s0;
	s1 =	sshll.u32 s1, $0x11  }
0xc2: {  	s0 =	sor.u32 s1, s0  }
0xc3: {  	s0 =	sadd.s32 $0x8F2B, s0  }
0xc4: {  	[sflag:s0] =	ssyncadd.remote.s32 $0x1  }
0xc5: {  	_ =	sfence.sel $0xFFFF  }
0xc6: {  	[dreg:$0x0] =	wrdreg $0xFFFFFFFF;
	(pc) =	sbr.abs _section_cstart, $3  }
0xc7: {  	[dreg:$0x1] =	wrdreg $0xFFFFFFFF  }
0xc8: {  	_ =	task.clear_ibuf [dreg:s7], $0x2FFFF;
	_ =	strace $0x9FFFFFFF  }
0xc9: {  	(tm) =	ssettm $0x7FFFFFFF  }
tec
execute0_lowered:
.L_overlay_start_1:
0x0: {  	(tag) =	ssettag $0x1  }
0x1: {  	v0 =	vlaneseq.u32  }
0x2: {  	v1 =	vor.u32 $0x100, v0  }
0x3: {  	v59 =	vor.u32 $0x200, v0;
	[tilespmem:$0x1FC30] =	vst v1  }
0x4: {  	v60 =	vor.u32 $0x300, v0;
	[tilespmem:$0x1FC40] =	vst v59  }
0x5: {  	v61 =	vor.u32 $0x400, v0;
	[tilespmem:$0x1FC50] =	vst v60  }
0x6: {  	v62 =	vor.u32 $0x500, v0;
	[tilespmem:$0x1FC60] =	vst v61  }
0x7: {  	v63 =	vor.u32 $0x600, v0;
	[tilespmem:$0x1FC70] =	vst v62  }
0x8: {  	v9 =	vor.u32 $0x700, v0;
	[tilespmem:$0x1FC80] =	vst v63  }
0x9: {  	v10 =	vor.u32 $0x800, v0;
	[tilespmem:$0x1FC90] =	vst v9  }
0xa: {  	v11 =	vor.u32 $0x900, v0;
	[tilespmem:$0x1FCA0] =	vst v10  }
0xb: {  	v12 =	vor.u32 $0xA00, v0;
	[tilespmem:$0x1FCB0] =	vst v11  }
0xc: {  	v13 =	vor.u32 $0xB00, v0;
	[tilespmem:$0x1FCC0] =	vst v12  }
0xd: {  	v14 =	vor.u32 $0xC00, v0;
	[tilespmem:$0x1FCD0] =	vst v13  }
0xe: {  	v15 =	vor.u32 $0xD00, v0;
	[tilespmem:$0x1FCE0] =	vst v14  }
0xf: {  	v16 =	vor.u32 $0xE00, v0;
	[tilespmem:$0x1FCF0] =	vst v15  }
0x10: {  	v17 =	vor.u32 $0xF00, v0;
	[tilespmem:$0x1FD00] =	vst v16  }
0x11: {  	v18 =	vor.u32 $0x1000, v0;
	[tilespmem:$0x1FD10] =	vst v17  }
0x12: {  	v19 =	vor.u32 $0x1100, v0;
	[tilespmem:$0x1FD20] =	vst v18  }
0x13: {  	v20 =	vor.u32 $0x1200, v0;
	[tilespmem:$0x1FD30] =	vst v19  }
0x14: {  	v21 =	vor.u32 $0x1300, v0;
	[tilespmem:$0x1FD40] =	vst v20  }
0x15: {  	v22 =	vor.u32 $0x1400, v0;
	[tilespmem:$0x1FD50] =	vst v21  }
0x16: {  	v23 =	vor.u32 $0x1500, v0;
	[tilespmem:$0x1FD60] =	vst v22  }
0x17: {  	v24 =	vor.u32 $0x1600, v0;
	[tilespmem:$0x1FD70] =	vst v23  }
0x18: {  	v25 =	vor.u32 $0x1700, v0;
	[tilespmem:$0x1FD80] =	vst v24  }
0x19: {  	v26 =	vor.u32 $0x1800, v0;
	[tilespmem:$0x1FD90] =	vst v25  }
0x1a: {  	v27 =	vor.u32 $0x1900, v0;
	[tilespmem:$0x1FDA0] =	vst v26  }
0x1b: {  	v28 =	vor.u32 $0x1A00, v0;
	[tilespmem:$0x1FDB0] =	vst v27  }
0x1c: {  	v29 =	vor.u32 $0x1B00, v0;
	[tilespmem:$0x1FDC0] =	vst v28  }
0x1d: {  	v30 =	vor.u32 $0x1C00, v0;
	[tilespmem:$0x1FDD0] =	vst v29  }
0x1e: {  	v31 =	vor.u32 $0x1D00, v0;
	[tilespmem:$0x1FDE0] =	vst v30  }
0x1f: {  	v32 =	vor.u32 $0x1E00, v0;
	[tilespmem:$0x1FDF0] =	vst v31  }
0x20: {  	v33 =	vor.u32 $0x1F00, v0;
	[tilespmem:$0x1FE00] =	vst v32  }
0x21: {  	v34 =	vor.u32 $0x2000, v0;
	[tilespmem:$0x1FE10] =	vst v33  }
0x22: {  	v35 =	vor.u32 $0x2100, v0;
	[tilespmem:$0x1FE20] =	vst v34  }
0x23: {  	v36 =	vor.u32 $0x2200, v0;
	[tilespmem:$0x1FE30] =	vst v35  }
0x24: {  	v37 =	vor.u32 $0x2300, v0;
	[tilespmem:$0x1FE40] =	vst v36  }
0x25: {  	v38 =	vor.u32 $0x2400, v0;
	[tilespmem:$0x1FE50] =	vst v37  }
0x26: {  	s0 =	rddreg [dreg:$0x0];
	v39 =	vor.u32 $0x2500, v0;
	[tilespmem:$0x1FE60] =	vst v38  }
0x27: {  	s4 =	rddreg [dreg:$0x1];
	v40 =	vor.u32 $0x2600, v0;
	[tilespmem:$0x1FE70] =	vst v39  }
0x28: {  	s2 =	rddreg [dreg:$0x2];
	s3 =	simm.s32 $0x0;
	v41 =	vor.u32 $0x2700, v0;
	[tilespmem:$0x1FE80] =	vst v40  }
0x29: {  	[smem:$0x7FF] =	sst s3;
	v42 =	vor.u32 $0x2800, v0;
	[tilespmem:$0x1FE90] =	vst v41  }
0x2a: {  	s1 =	rddreg [dreg:$0x3];
	v43 =	vor.u32 $0x2900, v0;
	_ =	strace $0x80000047;
	[tilespmem:$0x1FEA0] =	vst v42  }
0x2b: {  	v44 =	vor.u32 $0x2A00, v0;
	[tilespmem:$0x1FEB0] =	vst v43  }
0x2c: {  	v45 =	vor.u32 $0x2B00, v0;
	[tilespmem:$0x1FEC0] =	vst v44  }
0x2d: {  	v46 =	vor.u32 $0x2C00, v0;
	[tilespmem:$0x1FED0] =	vst v45  }
0x2e: {  	v47 =	vor.u32 $0x2D00, v0;
	[tilespmem:$0x1FEE0] =	vst v46  }
0x2f: {  	v48 =	vor.u32 $0x2E00, v0;
	[tilespmem:$0x1FEF0] =	vst v47  }
0x30: {  	v49 =	vor.u32 $0x2F00, v0;
	[tilespmem:$0x1FF00] =	vst v48  }
0x31: {  	v50 =	vor.u32 $0x3000, v0;
	[tilespmem:$0x1FF10] =	vst v49  }
0x32: {  	v51 =	vor.u32 $0x3100, v0;
	[tilespmem:$0x1FF20] =	vst v50  }
0x33: {  	v52 =	vor.u32 $0x3200, v0;
	[tilespmem:$0x1FF30] =	vst v51  }
0x34: {  	v53 =	vor.u32 $0x3300, v0;
	[tilespmem:$0x1FF40] =	vst v52  }
0x35: {  	v54 =	vor.u32 $0x3400, v0;
	[tilespmem:$0x1FF50] =	vst v53  }
0x36: {  	v55 =	vor.u32 $0x3500, v0;
	[tilespmem:$0x1FF60] =	vst v54  }
0x37: {  	s5 =	srdreg.scid;
	s6 =	stileid.u32;
	v56 =	vor.u32 $0x3600, v0;
	[tilespmem:$0x1FF70] =	vst v55  }
0x38: {  	s11 =	simm.s32 $0x100;
	s12 =	simm.s32 $0x400;
	s13 =	simm.s32 $0x0;
	v57 =	vor.u32 $0x3700, v0;
	[tilespmem:$0x1FF80] =	vst v56  }
0x39: {  	s5 =	sand.u32 $0x1, s5;
	s7 =	sshll.u32 s6, $0x6;
	s30 =	sshll.u32 s6, $0xC;
	v58 =	vor.u32 $0x3800, v0;
	[tilespmem:$0x1FF90] =	vst v57  }
0x3a: {  	p0 =	sne.s32 s6, $0x0;
	s8 =	sshll.u32 s5, $0x5;
	s5 =	ssub.s32 $0x2, s5;
	v59 =	vor.u32 $0x3900, v0;
	[tilespmem:$0x1FFA0] =	vst v58  }
0x3b: {  	v60 =	vor.u32 $0x3A00, v0;
	s7 =	sor.u32 s8, s7;
	s8 =	sand.u32 $0xE000, s30;
	s10 =	sshrl.u32 s5, $0x1;
	[tilespmem:$0x1FFB0] =	vst v59  }
0x3c: {  	v61 =	vor.u32 $0x3B00, v0;
	[tilespmem:$0x1FFC0] =	vst v60;
	s9 =	sadd.s32 s7, s4;
	s8 =	sadd.s32 s8, s4;
	s10 =	ssub.s32 s5, s10  }
0x3d: {  	v62 =	vor.u32 $0x3C00, v0;
	[tilespmem:$0x1FFD0] =	vst v61;
	s31 =	sand.u32 $0x60, s7;
	s7 =	sshrl.u32 @!p0 s2, $0x3;
	s4 =	sadd.s32 $0x800, s9  }
0x3e: {  	v63 =	vor.u32 $0x3D00, v0;
	[tilespmem:$0x1FFE0] =	vst v62;
	s5 =	sadd.s32 s31, s8;
	s6 =	smax.u32 s10, $0x1;
	s8 =	simm.s32 $0x1  }
0x3f: {  	v5 =	vor.u32 $0x3E00, v0;
	v6 =	vor.u32 $0x3F00, v0;
	[tilespmem:$0x1FFF0] =	vst v63;
	s9 =	simm.s32 $0x1000;
	s10 =	simm.s32 $0x11100;
	s5 =	sadd.s32 $0xC00, s5  }
.LBB2_1:
0x40: {  	_ =	strace $0x80000048;
	s14 =	simm.s32 @!p0 $0x1C01  }
0x41: {  	[spmem:s7], [sflag:s14] =	dma.local @!p0 [hbm:s0], $0x2000  }
0x42: {  	s14 =	simm.s32 @!p0 $0x1  }
0x43: {  	_ =	swait.ge @!p0 [sflag:s14], $0x2000  }
0x44: {  	[sflag:s14] =	ssyncset.done @!p0 $0x0  }
0x45: {  	[sflag:s14] =	ssyncadd.s32 @!p0 $0xFFFFE000;
	s14 =	simm.s32 $0x11000  }
0x46: {  	[tilespmem:s14], [sflag:$0x1] =	stream.linear.gather [hbm4b:s4+s3], $0x100, $0x200038;
	[tilespmem:$0x15100] =	vst v63  }
0x47: {  	_ =	swait.ge [sflag:s8], $0x100  }
0x48: {  	[sflag:s8] =	ssyncset.done $0x0  }
0x49: {  	[sflag:s8] =	ssyncadd.s32 $0xFFFFFF00  }
0x4a: {  	[bflag:$0x0] =	sbarrier.arrive $0xFFFF  }
0x4b: {  	[tilespmem:s9], [sflag:$0x1] =	stream.linear.gather [spmem:s2], $0x10000, $0x200038;
	[tilespmem:$0x15100] =	vst v63  }
0x4c: {  	_ =	swait.ge [sflag:s8], $0x10000  }
0x4d: {  	[sflag:s8] =	ssyncset.done $0x0  }
0x4e: {  	[sflag:s8] =	ssyncadd.s32 $0xFFFF0000  }
0x4f: {  	_ =	strace $0x90000048  }
0x50: {  	_ =	strace $0x80000049  }
0x51: {  	v7 =	vld [tilespmem:$0x1FC60]  }
0x52: {  	v8 =	vld [tilespmem:$0x1FC70]  }
0x53: {  	v9 =	vld [tilespmem:$0x1FC80]  }
0x54: {  	v10 =	vld [tilespmem:$0x1FC90]  }
0x55: {  	v11 =	vld [tilespmem:$0x1FCA0]  }
0x56: {  	v12 =	vld [tilespmem:$0x1FCB0]  }
0x57: {  	v13 =	vld [tilespmem:$0x1FCC0]  }
0x58: {  	v14 =	vld [tilespmem:$0x1FCD0]  }
0x59: {  	v15 =	vld [tilespmem:$0x1FCE0]  }
0x5a: {  	v16 =	vld [tilespmem:$0x1FCF0]  }
0x5b: {  	v17 =	vld [tilespmem:$0x1FD00]  }
0x5c: {  	v18 =	vld [tilespmem:$0x1FD10]  }
0x5d: {  	v19 =	vld [tilespmem:$0x1FD20]  }
0x5e: {  	v20 =	vld [tilespmem:$0x1FD30]  }
0x5f: {  	v21 =	vld [tilespmem:$0x1FD40]  }
0x60: {  	v22 =	vld [tilespmem:$0x1FD50]  }
0x61: {  	v23 =	vld [tilespmem:$0x1FD60]  }
0x62: {  	v24 =	vld [tilespmem:$0x1FD70]  }
0x63: {  	v25 =	vld [tilespmem:$0x1FD80]  }
0x64: {  	v26 =	vld [tilespmem:$0x1FD90]  }
0x65: {  	v27 =	vld [tilespmem:$0x1FDA0]  }
0x66: {  	v28 =	vld [tilespmem:$0x1FDB0]  }
0x67: {  	v29 =	vld [tilespmem:$0x1FDC0]  }
0x68: {  	v30 =	vld [tilespmem:$0x1FDD0]  }
0x69: {  	v31 =	vld [tilespmem:$0x1FDE0]  }
0x6a: {  	v32 =	vld [tilespmem:$0x1FDF0]  }
0x6b: {  	v33 =	vld [tilespmem:$0x1FE00]  }
0x6c: {  	v34 =	vld [tilespmem:$0x1FE10]  }
0x6d: {  	v35 =	vld [tilespmem:$0x1FE20]  }
0x6e: {  	v36 =	vld [tilespmem:$0x1FE30]  }
0x6f: {  	v37 =	vld [tilespmem:$0x1FE40]  }
0x70: {  	v38 =	vld [tilespmem:$0x1FE50]  }
0x71: {  	v39 =	vld [tilespmem:$0x1FE60]  }
0x72: {  	v40 =	vld [tilespmem:$0x1FE70]  }
0x73: {  	v41 =	vld [tilespmem:$0x1FE80]  }
0x74: {  	v42 =	vld [tilespmem:$0x1FE90]  }
0x75: {  	v43 =	vld [tilespmem:$0x1FEA0]  }
0x76: {  	v44 =	vld [tilespmem:$0x1FEB0]  }
0x77: {  	v45 =	vld [tilespmem:$0x1FEC0]  }
0x78: {  	v46 =	vld [tilespmem:$0x1FED0]  }
0x79: {  	v47 =	vld [tilespmem:$0x1FEE0]  }
0x7a: {  	v48 =	vld [tilespmem:$0x1FEF0]  }
0x7b: {  	v49 =	vld [tilespmem:$0x1FF00]  }
0x7c: {  	v50 =	vld [tilespmem:$0x1FF10]  }
0x7d: {  	v51 =	vld [tilespmem:$0x1FF20]  }
0x7e: {  	v52 =	vld [tilespmem:$0x1FF30]  }
0x7f: {  	v53 =	vld [tilespmem:$0x1FF40]  }
0x80: {  	v54 =	vld [tilespmem:$0x1FF50]  }
0x81: {  	v55 =	vld [tilespmem:$0x1FF60]  }
0x82: {  	v56 =	vld [tilespmem:$0x1FF70]  }
0x83: {  	v57 =	vld [tilespmem:$0x1FF80]  }
0x84: {  	v58 =	vld [tilespmem:$0x1FF90]  }
0x85: {  	v59 =	vld [tilespmem:$0x1FFA0]  }
0x86: {  	v60 =	vld [tilespmem:$0x1FFB0]  }
0x87: {  	v61 =	vld [tilespmem:$0x1FFC0]  }
0x88: {  	v62 =	vld [tilespmem:$0x1FFD0]  }
0x89: {  	v63 =	vld [tilespmem:$0x1FFE0]  }
0x8a: {  	s15 =	simm.s32 $0x0;
	v4 =	vld [tilespmem:$0x1FFF0]  }
.LBB2_2:
0x8b: {  	v0 =	vld [tilespmem:s14+$0x0];
	_ =	sdelay $0x6  }
0x8c: {  	v2 =	vlaneseq.u32  }
0x8d: {  	v2 =	vor.u32 s15, v2;
	v1 =	vld.idx.msk [tilespmem:v0+s9+$0x0], $0xffff;
	_ =	sdelay $0x4  }
0x8e: {  	v3 =	vadd.s32 $0x400, v0;
	[tilespmem:v2+s10+$0x0] =	vst.idx.msk $0xffff, v1;
	v2 =	vld [tilespmem:$0x1FC30];
	_ =	sdelay $0x4  }
0x8f: {  	v1 =	vld.idx.msk [tilespmem:v3+s9+$0x0], $0xffff;
	v2 =	vor.u32 s15, v2;
	_ =	sdelay $0x4  }
0x90: {  	v3 =	vadd.s32 $0x800, v0;
	[tilespmem:v2+s10+$0x0] =	vst.idx.msk $0xffff, v1;
	v2 =	vld [tilespmem:$0x1FC40];
	_ =	sdelay $0x4  }
0x91: {  	v1 =	vld.idx.msk [tilespmem:v3+s9+$0x0], $0xffff;
	v2 =	vor.u32 s15, v2;
	_ =	sdelay $0x4  }
0x92: {  	v3 =	vadd.s32 $0xC00, v0;
	[tilespmem:v2+s10+$0x0] =	vst.idx.msk $0xffff, v1;
	v2 =	vld [tilespmem:$0x1FC50];
	_ =	sdelay $0x4  }
0x93: {  	v1 =	vld.idx.msk [tilespmem:v3+s9+$0x0], $0xffff;
	v2 =	vor.u32 s15, v2  }
0x94: {  	v3 =	vadd.s32 $0x1000, v0;
	_ =	sdelay $0x3  }
0x95: {  	[tilespmem:v2+s10+$0x0] =	vst.idx.msk $0xffff, v1  }
0x96: {  	v2 =	vor.u32 s15, v7;
	v1 =	vld.idx.msk [tilespmem:v3+s9+$0x0], $0xffff  }
0x97: {  	v3 =	vadd.s32 $0x1400, v0;
	_ =	sdelay $0x3  }
0x98: {  	[tilespmem:v2+s10+$0x0] =	vst.idx.msk $0xffff, v1  }
0x99: {  	v2 =	vor.u32 s15, v8;
	v1 =	vld.idx.msk [tilespmem:v3+s9+$0x0], $0xffff  }
0x9a: {  	v3 =	vadd.s32 $0x1800, v0;
	_ =	sdelay $0x3  }
0x9b: {  	[tilespmem:v2+s10+$0x0] =	vst.idx.msk $0xffff, v1  }
0x9c: {  	v2 =	vor.u32 s15, v9;
	v1 =	vld.idx.msk [tilespmem:v3+s9+$0x0], $0xffff  }
0x9d: {  	v3 =	vadd.s32 $0x1C00, v0;
	_ =	sdelay $0x3  }
0x9e: {  	[tilespmem:v2+s10+$0x0] =	vst.idx.msk $0xffff, v1  }
0x9f: {  	v2 =	vor.u32 s15, v10;
	v1 =	vld.idx.msk [tilespmem:v3+s9+$0x0], $0xffff  }
0xa0: {  	v3 =	vadd.s32 $0x2000, v0;
	_ =	sdelay $0x3  }
0xa1: {  	[tilespmem:v2+s10+$0x0] =	vst.idx.msk $0xffff, v1  }
0xa2: {  	v2 =	vor.u32 s15, v11;
	v1 =	vld.idx.msk [tilespmem:v3+s9+$0x0], $0xffff  }
0xa3: {  	v3 =	vadd.s32 $0x2400, v0;
	_ =	sdelay $0x3  }
0xa4: {  	[tilespmem:v2+s10+$0x0] =	vst.idx.msk $0xffff, v1  }
0xa5: {  	v2 =	vor.u32 s15, v12;
	v1 =	vld.idx.msk [tilespmem:v3+s9+$0x0], $0xffff  }
0xa6: {  	v3 =	vadd.s32 $0x2800, v0;
	_ =	sdelay $0x3  }
0xa7: {  	[tilespmem:v2+s10+$0x0] =	vst.idx.msk $0xffff, v1  }
0xa8: {  	v2 =	vor.u32 s15, v13;
	v1 =	vld.idx.msk [tilespmem:v3+s9+$0x0], $0xffff  }
0xa9: {  	v3 =	vadd.s32 $0x2C00, v0;
	_ =	sdelay $0x3  }
0xaa: {  	[tilespmem:v2+s10+$0x0] =	vst.idx.msk $0xffff, v1  }
0xab: {  	v2 =	vor.u32 s15, v14;
	v1 =	vld.idx.msk [tilespmem:v3+s9+$0x0], $0xffff  }
0xac: {  	v3 =	vadd.s32 $0x3000, v0;
	_ =	sdelay $0x3  }
0xad: {  	[tilespmem:v2+s10+$0x0] =	vst.idx.msk $0xffff, v1  }
0xae: {  	v2 =	vor.u32 s15, v15;
	v1 =	vld.idx.msk [tilespmem:v3+s9+$0x0], $0xffff  }
0xaf: {  	v3 =	vadd.s32 $0x3400, v0;
	_ =	sdelay $0x3  }
0xb0: {  	[tilespmem:v2+s10+$0x0] =	vst.idx.msk $0xffff, v1  }
0xb1: {  	v2 =	vor.u32 s15, v16;
	v1 =	vld.idx.msk [tilespmem:v3+s9+$0x0], $0xffff  }
0xb2: {  	v3 =	vadd.s32 $0x3800, v0;
	_ =	sdelay $0x3  }
0xb3: {  	[tilespmem:v2+s10+$0x0] =	vst.idx.msk $0xffff, v1  }
0xb4: {  	v2 =	vor.u32 s15, v17;
	v1 =	vld.idx.msk [tilespmem:v3+s9+$0x0], $0xffff  }
0xb5: {  	v3 =	vadd.s32 $0x3C00, v0;
	_ =	sdelay $0x3  }
0xb6: {  	[tilespmem:v2+s10+$0x0] =	vst.idx.msk $0xffff, v1  }
0xb7: {  	v2 =	vor.u32 s15, v18;
	v1 =	vld.idx.msk [tilespmem:v3+s9+$0x0], $0xffff  }
0xb8: {  	v3 =	vadd.s32 $0x4000, v0;
	_ =	sdelay $0x3  }
0xb9: {  	[tilespmem:v2+s10+$0x0] =	vst.idx.msk $0xffff, v1  }
0xba: {  	v2 =	vor.u32 s15, v19;
	v1 =	vld.idx.msk [tilespmem:v3+s9+$0x0], $0xffff  }
0xbb: {  	v3 =	vadd.s32 $0x4400, v0;
	_ =	sdelay $0x3  }
0xbc: {  	[tilespmem:v2+s10+$0x0] =	vst.idx.msk $0xffff, v1  }
0xbd: {  	v2 =	vor.u32 s15, v20;
	v1 =	vld.idx.msk [tilespmem:v3+s9+$0x0], $0xffff  }
0xbe: {  	v3 =	vadd.s32 $0x4800, v0;
	_ =	sdelay $0x3  }
0xbf: {  	[tilespmem:v2+s10+$0x0] =	vst.idx.msk $0xffff, v1  }
0xc0: {  	v2 =	vor.u32 s15, v21;
	v1 =	vld.idx.msk [tilespmem:v3+s9+$0x0], $0xffff  }
0xc1: {  	v3 =	vadd.s32 $0x4C00, v0;
	_ =	sdelay $0x3  }
0xc2: {  	[tilespmem:v2+s10+$0x0] =	vst.idx.msk $0xffff, v1  }
0xc3: {  	v2 =	vor.u32 s15, v22;
	v1 =	vld.idx.msk [tilespmem:v3+s9+$0x0], $0xffff  }
0xc4: {  	v3 =	vadd.s32 $0x5000, v0;
	_ =	sdelay $0x3  }
0xc5: {  	[tilespmem:v2+s10+$0x0] =	vst.idx.msk $0xffff, v1  }
0xc6: {  	v2 =	vor.u32 s15, v23;
	v1 =	vld.idx.msk [tilespmem:v3+s9+$0x0], $0xffff  }
0xc7: {  	v3 =	vadd.s32 $0x5400, v0;
	_ =	sdelay $0x3  }
0xc8: {  	[tilespmem:v2+s10+$0x0] =	vst.idx.msk $0xffff, v1  }
0xc9: {  	v2 =	vor.u32 s15, v24;
	v1 =	vld.idx.msk [tilespmem:v3+s9+$0x0], $0xffff  }
0xca: {  	v3 =	vadd.s32 $0x5800, v0;
	_ =	sdelay $0x3  }
0xcb: {  	[tilespmem:v2+s10+$0x0] =	vst.idx.msk $0xffff, v1  }
0xcc: {  	v2 =	vor.u32 s15, v25;
	v1 =	vld.idx.msk [tilespmem:v3+s9+$0x0], $0xffff  }
0xcd: {  	v3 =	vadd.s32 $0x5C00, v0;
	_ =	sdelay $0x3  }
0xce: {  	[tilespmem:v2+s10+$0x0] =	vst.idx.msk $0xffff, v1  }
0xcf: {  	v2 =	vor.u32 s15, v26;
	v1 =	vld.idx.msk [tilespmem:v3+s9+$0x0], $0xffff  }
0xd0: {  	v3 =	vadd.s32 $0x6000, v0;
	_ =	sdelay $0x3  }
0xd1: {  	[tilespmem:v2+s10+$0x0] =	vst.idx.msk $0xffff, v1  }
0xd2: {  	v2 =	vor.u32 s15, v27;
	v1 =	vld.idx.msk [tilespmem:v3+s9+$0x0], $0xffff  }
0xd3: {  	v3 =	vadd.s32 $0x6400, v0;
	_ =	sdelay $0x3  }
0xd4: {  	[tilespmem:v2+s10+$0x0] =	vst.idx.msk $0xffff, v1  }
0xd5: {  	v2 =	vor.u32 s15, v28;
	v1 =	vld.idx.msk [tilespmem:v3+s9+$0x0], $0xffff  }
0xd6: {  	v3 =	vadd.s32 $0x6800, v0;
	_ =	sdelay $0x3  }
0xd7: {  	[tilespmem:v2+s10+$0x0] =	vst.idx.msk $0xffff, v1  }
0xd8: {  	v2 =	vor.u32 s15, v29;
	v1 =	vld.idx.msk [tilespmem:v3+s9+$0x0], $0xffff  }
0xd9: {  	v3 =	vadd.s32 $0x6C00, v0;
	_ =	sdelay $0x3  }
0xda: {  	[tilespmem:v2+s10+$0x0] =	vst.idx.msk $0xffff, v1  }
0xdb: {  	v2 =	vor.u32 s15, v30;
	v1 =	vld.idx.msk [tilespmem:v3+s9+$0x0], $0xffff  }
0xdc: {  	v3 =	vadd.s32 $0x7000, v0;
	_ =	sdelay $0x3  }
0xdd: {  	[tilespmem:v2+s10+$0x0] =	vst.idx.msk $0xffff, v1  }
0xde: {  	v2 =	vor.u32 s15, v31;
	v1 =	vld.idx.msk [tilespmem:v3+s9+$0x0], $0xffff  }
0xdf: {  	v3 =	vadd.s32 $0x7400, v0;
	_ =	sdelay $0x3  }
0xe0: {  	[tilespmem:v2+s10+$0x0] =	vst.idx.msk $0xffff, v1  }
0xe1: {  	v2 =	vor.u32 s15, v32;
	v1 =	vld.idx.msk [tilespmem:v3+s9+$0x0], $0xffff  }
0xe2: {  	v3 =	vadd.s32 $0x7800, v0;
	_ =	sdelay $0x3  }
0xe3: {  	[tilespmem:v2+s10+$0x0] =	vst.idx.msk $0xffff, v1  }
0xe4: {  	v2 =	vor.u32 s15, v33;
	v1 =	vld.idx.msk [tilespmem:v3+s9+$0x0], $0xffff  }
0xe5: {  	v3 =	vadd.s32 $0x7C00, v0;
	_ =	sdelay $0x3  }
0xe6: {  	[tilespmem:v2+s10+$0x0] =	vst.idx.msk $0xffff, v1  }
0xe7: {  	v2 =	vor.u32 s15, v34;
	v1 =	vld.idx.msk [tilespmem:v3+s9+$0x0], $0xffff  }
0xe8: {  	v3 =	vadd.s32 $0x8000, v0;
	_ =	sdelay $0x3  }
0xe9: {  	[tilespmem:v2+s10+$0x0] =	vst.idx.msk $0xffff, v1  }
0xea: {  	v2 =	vor.u32 s15, v35;
	v1 =	vld.idx.msk [tilespmem:v3+s9+$0x0], $0xffff  }
0xeb: {  	v3 =	vadd.s32 $0x8400, v0;
	_ =	sdelay $0x3  }
0xec: {  	[tilespmem:v2+s10+$0x0] =	vst.idx.msk $0xffff, v1  }
0xed: {  	v2 =	vor.u32 s15, v36;
	v1 =	vld.idx.msk [tilespmem:v3+s9+$0x0], $0xffff  }
0xee: {  	v3 =	vadd.s32 $0x8800, v0;
	_ =	sdelay $0x3  }
0xef: {  	[tilespmem:v2+s10+$0x0] =	vst.idx.msk $0xffff, v1  }
0xf0: {  	v2 =	vor.u32 s15, v37;
	v1 =	vld.idx.msk [tilespmem:v3+s9+$0x0], $0xffff  }
0xf1: {  	v3 =	vadd.s32 $0x8C00, v0;
	_ =	sdelay $0x3  }
0xf2: {  	[tilespmem:v2+s10+$0x0] =	vst.idx.msk $0xffff, v1  }
0xf3: {  	v2 =	vor.u32 s15, v38;
	v1 =	vld.idx.msk [tilespmem:v3+s9+$0x0], $0xffff  }
0xf4: {  	v3 =	vadd.s32 $0x9000, v0;
	_ =	sdelay $0x3  }
0xf5: {  	[tilespmem:v2+s10+$0x0] =	vst.idx.msk $0xffff, v1  }
0xf6: {  	v2 =	vor.u32 s15, v39;
	v1 =	vld.idx.msk [tilespmem:v3+s9+$0x0], $0xffff  }
0xf7: {  	v3 =	vadd.s32 $0x9400, v0;
	_ =	sdelay $0x3  }
0xf8: {  	[tilespmem:v2+s10+$0x0] =	vst.idx.msk $0xffff, v1  }
0xf9: {  	v2 =	vor.u32 s15, v40;
	v1 =	vld.idx.msk [tilespmem:v3+s9+$0x0], $0xffff  }
0xfa: {  	v3 =	vadd.s32 $0x9800, v0;
	_ =	sdelay $0x3  }
0xfb: {  	[tilespmem:v2+s10+$0x0] =	vst.idx.msk $0xffff, v1  }
0xfc: {  	v2 =	vor.u32 s15, v41;
	v1 =	vld.idx.msk [tilespmem:v3+s9+$0x0], $0xffff  }
0xfd: {  	v3 =	vadd.s32 $0x9C00, v0;
	_ =	sdelay $0x3  }
0xfe: {  	[tilespmem:v2+s10+$0x0] =	vst.idx.msk $0xffff, v1  }
0xff: {  	v2 =	vor.u32 s15, v42;
	v1 =	vld.idx.msk [tilespmem:v3+s9+$0x0], $0xffff  }
0x100: {  	v3 =	vadd.s32 $0xA000, v0;
	_ =	sdelay $0x3  }
0x101: {  	[tilespmem:v2+s10+$0x0] =	vst.idx.msk $0xffff, v1  }
0x102: {  	v2 =	vor.u32 s15, v43;
	v1 =	vld.idx.msk [tilespmem:v3+s9+$0x0], $0xffff  }
0x103: {  	v3 =	vadd.s32 $0xA400, v0;
	_ =	sdelay $0x3  }
0x104: {  	[tilespmem:v2+s10+$0x0] =	vst.idx.msk $0xffff, v1  }
0x105: {  	v2 =	vor.u32 s15, v44;
	v1 =	vld.idx.msk [tilespmem:v3+s9+$0x0], $0xffff  }
0x106: {  	v3 =	vadd.s32 $0xA800, v0;
	_ =	sdelay $0x3  }
0x107: {  	[tilespmem:v2+s10+$0x0] =	vst.idx.msk $0xffff, v1  }
0x108: {  	v2 =	vor.u32 s15, v45;
	v1 =	vld.idx.msk [tilespmem:v3+s9+$0x0], $0xffff  }
0x109: {  	v3 =	vadd.s32 $0xAC00, v0;
	_ =	sdelay $0x3  }
0x10a: {  	[tilespmem:v2+s10+$0x0] =	vst.idx.msk $0xffff, v1  }
0x10b: {  	v2 =	vor.u32 s15, v46;
	v1 =	vld.idx.msk [tilespmem:v3+s9+$0x0], $0xffff  }
0x10c: {  	v3 =	vadd.s32 $0xB000, v0;
	_ =	sdelay $0x3  }
0x10d: {  	[tilespmem:v2+s10+$0x0] =	vst.idx.msk $0xffff, v1  }
0x10e: {  	v2 =	vor.u32 s15, v47;
	v1 =	vld.idx.msk [tilespmem:v3+s9+$0x0], $0xffff  }
0x10f: {  	v3 =	vadd.s32 $0xB400, v0;
	_ =	sdelay $0x3  }
0x110: {  	[tilespmem:v2+s10+$0x0] =	vst.idx.msk $0xffff, v1  }
0x111: {  	v2 =	vor.u32 s15, v48;
	v1 =	vld.idx.msk [tilespmem:v3+s9+$0x0], $0xffff  }
0x112: {  	v3 =	vadd.s32 $0xB800, v0;
	_ =	sdelay $0x3  }
0x113: {  	[tilespmem:v2+s10+$0x0] =	vst.idx.msk $0xffff, v1  }
0x114: {  	v2 =	vor.u32 s15, v49;
	v1 =	vld.idx.msk [tilespmem:v3+s9+$0x0], $0xffff  }
0x115: {  	v3 =	vadd.s32 $0xBC00, v0;
	_ =	sdelay $0x3  }
0x116: {  	[tilespmem:v2+s10+$0x0] =	vst.idx.msk $0xffff, v1  }
0x117: {  	v2 =	vor.u32 s15, v50;
	v1 =	vld.idx.msk [tilespmem:v3+s9+$0x0], $0xffff  }
0x118: {  	v3 =	vadd.s32 $0xC000, v0;
	_ =	sdelay $0x3  }
0x119: {  	[tilespmem:v2+s10+$0x0] =	vst.idx.msk $0xffff, v1  }
0x11a: {  	v2 =	vor.u32 s15, v51;
	v1 =	vld.idx.msk [tilespmem:v3+s9+$0x0], $0xffff  }
0x11b: {  	v3 =	vadd.s32 $0xC400, v0;
	_ =	sdelay $0x3  }
0x11c: {  	[tilespmem:v2+s10+$0x0] =	vst.idx.msk $0xffff, v1  }
0x11d: {  	v2 =	vor.u32 s15, v52;
	v1 =	vld.idx.msk [tilespmem:v3+s9+$0x0], $0xffff  }
0x11e: {  	v3 =	vadd.s32 $0xC800, v0;
	_ =	sdelay $0x3  }
0x11f: {  	[tilespmem:v2+s10+$0x0] =	vst.idx.msk $0xffff, v1  }
0x120: {  	v2 =	vor.u32 s15, v53;
	v1 =	vld.idx.msk [tilespmem:v3+s9+$0x0], $0xffff  }
0x121: {  	v3 =	vadd.s32 $0xCC00, v0;
	_ =	sdelay $0x3  }
0x122: {  	[tilespmem:v2+s10+$0x0] =	vst.idx.msk $0xffff, v1  }
0x123: {  	v2 =	vor.u32 s15, v54;
	v1 =	vld.idx.msk [tilespmem:v3+s9+$0x0], $0xffff  }
0x124: {  	v3 =	vadd.s32 $0xD000, v0;
	_ =	sdelay $0x3  }
0x125: {  	[tilespmem:v2+s10+$0x0] =	vst.idx.msk $0xffff, v1  }
0x126: {  	v2 =	vor.u32 s15, v55;
	v1 =	vld.idx.msk [tilespmem:v3+s9+$0x0], $0xffff  }
0x127: {  	v3 =	vadd.s32 $0xD400, v0;
	_ =	sdelay $0x3  }
0x128: {  	[tilespmem:v2+s10+$0x0] =	vst.idx.msk $0xffff, v1  }
0x129: {  	v2 =	vor.u32 s15, v56;
	v1 =	vld.idx.msk [tilespmem:v3+s9+$0x0], $0xffff  }
0x12a: {  	v3 =	vadd.s32 $0xD800, v0;
	_ =	sdelay $0x3  }
0x12b: {  	[tilespmem:v2+s10+$0x0] =	vst.idx.msk $0xffff, v1  }
0x12c: {  	v2 =	vor.u32 s15, v57;
	v1 =	vld.idx.msk [tilespmem:v3+s9+$0x0], $0xffff  }
0x12d: {  	v3 =	vadd.s32 $0xDC00, v0;
	_ =	sdelay $0x3  }
0x12e: {  	[tilespmem:v2+s10+$0x0] =	vst.idx.msk $0xffff, v1  }
0x12f: {  	v2 =	vor.u32 s15, v58;
	v1 =	vld.idx.msk [tilespmem:v3+s9+$0x0], $0xffff  }
0x130: {  	v3 =	vadd.s32 $0xE000, v0;
	_ =	sdelay $0x3  }
0x131: {  	[tilespmem:v2+s10+$0x0] =	vst.idx.msk $0xffff, v1  }
0x132: {  	v2 =	vor.u32 s15, v59;
	v1 =	vld.idx.msk [tilespmem:v3+s9+$0x0], $0xffff  }
0x133: {  	v3 =	vadd.s32 $0xE400, v0;
	_ =	sdelay $0x3  }
0x134: {  	[tilespmem:v2+s10+$0x0] =	vst.idx.msk $0xffff, v1  }
0x135: {  	v2 =	vor.u32 s15, v60;
	v1 =	vld.idx.msk [tilespmem:v3+s9+$0x0], $0xffff  }
0x136: {  	v3 =	vadd.s32 $0xE800, v0;
	_ =	sdelay $0x3  }
0x137: {  	[tilespmem:v2+s10+$0x0] =	vst.idx.msk $0xffff, v1  }
0x138: {  	v2 =	vor.u32 s15, v61;
	v1 =	vld.idx.msk [tilespmem:v3+s9+$0x0], $0xffff  }
0x139: {  	v3 =	vadd.s32 $0xEC00, v0;
	_ =	sdelay $0x3  }
0x13a: {  	[tilespmem:v2+s10+$0x0] =	vst.idx.msk $0xffff, v1  }
0x13b: {  	v2 =	vor.u32 s15, v62;
	v1 =	vld.idx.msk [tilespmem:v3+s9+$0x0], $0xffff  }
0x13c: {  	v3 =	vadd.s32 $0xF000, v0;
	_ =	sdelay $0x3  }
0x13d: {  	[tilespmem:v2+s10+$0x0] =	vst.idx.msk $0xffff, v1  }
0x13e: {  	v2 =	vor.u32 s15, v63;
	v1 =	vld.idx.msk [tilespmem:v3+s9+$0x0], $0xffff  }
0x13f: {  	v3 =	vadd.s32 $0xF400, v0;
	_ =	sdelay $0x3  }
0x140: {  	[tilespmem:v2+s10+$0x0] =	vst.idx.msk $0xffff, v1  }
0x141: {  	v2 =	vor.u32 s15, v4;
	v1 =	vld.idx.msk [tilespmem:v3+s9+$0x0], $0xffff  }
0x142: {  	v3 =	vadd.s32 $0xF800, v0;
	_ =	sdelay $0x3  }
0x143: {  	[tilespmem:v2+s10+$0x0] =	vst.idx.msk $0xffff, v1  }
0x144: {  	v2 =	vor.u32 s15, v5;
	v1 =	vld.idx.msk [tilespmem:v3+s9+$0x0], $0xffff  }
0x145: {  	v0 =	vadd.s32 $0xFC00, v0;
	_ =	sdelay $0x3  }
0x146: {  	[tilespmem:v2+s10+$0x0] =	vst.idx.msk $0xffff, v1  }
0x147: {  	p1 =	sne.s32 s15, $0xF0;
	v1 =	vor.u32 s15, v6;
	v0 =	vld.idx.msk [tilespmem:v0+s9+$0x0], $0xffff  }
.Ltmp0:
0x148: {  	_ = 	snop;
	(pc) =	sbr.rel @p1 .LBB2_2-.Ltmp0, $2  }
0x149: {  	_ =	sdelay $0x2  }
0x14a: {  	s14 =	sadd.s32 $0x10, s14;
	s15 =	sadd.s32 $0x10, s15;
	[tilespmem:v1+s10+$0x0] =	vst.idx.msk $0xffff, v0  }
0x14b: {  	_ =	strace $0x90000049;
	s13 =	sadd.s32 $0x1, s13  }
0x14c: {  	_ =	strace $0x8000004A;
	p1 =	sne.s32 s13, s6  }
0x14d: {  	[hbm4b:s5+s11] =	stream.strided.scatter [tilespmem:s10], [sflag:$0x1], $0x4000, s12, s11, $0x200038;
	[tilespmem:$0x15100] =	vst v63  }
.Ltmp1:
0x14e: {  	_ = 	snop;
	(pc) =	sbr.rel @p1 .LBB2_1-.Ltmp1, $4  }
0x14f: {  	_ =	swait.ge [sflag:s8], $0x4000  }
0x150: {  	[sflag:s8] =	ssyncset.done $0x0  }
0x151: {  	[sflag:s8] =	ssyncadd.s32 $0xFFFFC000  }
0x152: {  	_ =	strace $0x9000004A  }
0x153: {  	_ =	sfence.sel $0x180000  }
0x154: {  	[bflag:$0x0] =	sbarrier.arrive $0xFFFF  }
0x155: {  	_ =	strace $0x90000047  }
0x156: {  	s0 =	sadd.s32 @!p0 $0x100000, s1;
	[bflag:$0x2] =	sbarrier.arrive $0xFFFF  }
0x157: {  	[sflag:s0] =	ssyncadd.tile.s32 @!p0 $0x1;
	_ =	shalt  }
.Lfunc_end2:
_tile_overlayer_lowered:
.L_overlay_start_2:
0x158: {  	(tag) =	ssettag $0x2  }
0x159: {  	s0 =	rddreg [dreg:$0x0];
	s2 =	stileid.u32  }
0x15a: {  	s1 =	rddreg [dreg:$0x1];
	p0 =	sne.s32 s2, $0x0  }
0x15b: {  	s3 =	rddreg [dreg:$0x2];
	[bflag:$0x3] =	sbarrier.arrive $0xFFFF;
	s2 =	simm.s32 @!p0 $0x1C01  }
0x15c: {  	[timem:s3], [sflag:s2] =	dma.local @!p0 [hbm:s0], s1  }
0x15d: {  	s0 =	simm.s32 @!p0 $0x1  }
0x15e: {  	_ =	swait.ge @!p0 [sflag:s0], s1  }
0x15f: {  	s1 =	ssub.s32 @!p0 $0x0, s1;
	[sflag:s0] =	ssyncset.done @!p0 $0x0  }
0x160: {  	[sflag:s0] =	ssyncadd.s32 @!p0 s1  }
0x161: {  	[bflag:$0x3] =	sbarrier.arrive $0xFFFF  }
0x162: {  	_ =	shalt  }

</sc_bundles>
